<compile_context>
chip_gen: v7x
topology: tpu7x:2x2x1
jax: 0.10.2.dev20260603
libtpu: 0.0.44.dev20260713+nightly
codegen_flags: <defaults>
</compile_context>

<pallas_src>
import functools

import jax
import jax.numpy as jnp
from jax import lax
from jax.experimental import pallas as pl
from jax.experimental.pallas import tpu as pltpu
from jax.experimental.pallas import tpu_sc as plsc

N = 16384
NW = 32
C = 4096
NB = 4
STEPS = 30
LANES = 16


def _sc_matvec_kernel(nch):

    mesh = plsc.VectorSubcoreMesh(core_axis_name="c", subcore_axis_name="s")

    @functools.partial(
        pl.kernel,
        mesh=mesh,
        out_type=jax.ShapeDtypeStruct((2, N), jnp.float32),
        compiler_params=pltpu.CompilerParams(needs_layout_passes=False),
        scratch_types=[
            pltpu.VMEM_SHARED((16, N), jnp.float32),
            pltpu.VMEM((16, N // 16), jnp.float32),
            pltpu.VMEM((N,), jnp.float32),
            pltpu.VMEM((N,), jnp.float32),
            pltpu.VMEM((C,), jnp.int32),
            pltpu.VMEM((C,), jnp.int32),
            pltpu.VMEM((C,), jnp.int32),
            pltpu.VMEM((C,), jnp.int32),
            pltpu.VMEM((C,), jnp.float32),
            pltpu.VMEM((C,), jnp.float32),
            pltpu.VMEM((C,), jnp.float32),
            pltpu.VMEM((C,), jnp.float32),
            pltpu.SemaphoreType.DMA,
            pltpu.SemaphoreType.DMA,
            pltpu.SemaphoreType.DMA,
            pltpu.SemaphoreType.DMA,
        ],
    )
    def matvec(idx_hbm, val_hbm, p_hbm, out_hbm, grid_s, red_v, p_v, y_v,
               ibuf0, ibuf1, ibuf2, ibuf3, vbuf0, vbuf1, vbuf2, vbuf3,
               sem0, sem1, sem2, sem3):
        ibufs = (ibuf0, ibuf1, ibuf2, ibuf3)
        vbufs = (vbuf0, vbuf1, vbuf2, vbuf3)
        cid = lax.axis_index("c")
        sid = lax.axis_index("s")
        wid = sid * 2 + cid
        base_chunk = wid * nch

        sems = (sem0, sem1, sem2, sem3)

        def start(ch, b):
            pltpu.make_async_copy(
                idx_hbm.at[pl.ds((base_chunk + ch) * C, C)], ibufs[b], sems[b]
            ).start()
            pltpu.make_async_copy(
                val_hbm.at[pl.ds((base_chunk + ch) * C, C)], vbufs[b], sems[b]
            ).start()

        def wait(b):
            pltpu.make_async_copy(
                idx_hbm.at[pl.ds(0, C)], ibufs[b], sems[b]
            ).wait()
            pltpu.make_async_copy(
                val_hbm.at[pl.ds(0, C)], vbufs[b], sems[b]
            ).wait()

        def process(iref, vref):
            G = 8

            def inner(j, carry):
                base = j * (G * LANES)
                idx = [iref[pl.ds(base + k * LANES, LANES)] for k in range(G)]
                val = [vref[pl.ds(base + k * LANES, LANES)] for k in range(G)]
                rows = [v & 0x3FFF for v in idx]
                cols = [lax.shift_right_logical(v, 14) for v in idx]
                pv1 = [plsc.load_gather(p_v, [c]) for c in cols]
                pv2 = [plsc.load_gather(p_v, [r]) for r in rows]
                for k in range(G):
                    plsc.addupdate_scatter(y_v, [rows[k]], val[k] * pv1[k])
                for k in range(G):
                    plsc.addupdate_scatter(y_v, [cols[k]], val[k] * pv2[k])
                return carry

            lax.fori_loop(0, C // (G * LANES), inner, 0)

        for b in range(NB - 1):
            start(b, b)

        @pl.when(sid == 0)
        def _():
            pltpu.sync_copy(p_hbm, grid_s.at[0])

        def zbody(i, carry):
            y_v[pl.ds(i * LANES, LANES)] = jnp.zeros((LANES,), jnp.float32)
            return carry

        lax.fori_loop(0, N // LANES, zbody, 0, unroll=8)
        plsc.subcore_barrier()
        pltpu.sync_copy(grid_s.at[0], p_v)
        plsc.subcore_barrier()

        def outer(i, carry):
            g = i * NB
            for b in range(NB):
                ch = g + b

                @pl.when(ch + NB - 1 < nch)
                def _():
                    start(ch + NB - 1, (b + NB - 1) % NB)

                wait(b)
                process(ibufs[b], vbufs[b])
            return carry

        lax.fori_loop(0, nch // NB, outer, 0)

        sl = N // 16
        pltpu.sync_copy(y_v, grid_s.at[sid])
        plsc.subcore_barrier()
        pltpu.sync_copy(grid_s.at[:, pl.ds(sid * sl, sl)], red_v)

        def rbody(j, carry):
            acc = red_v[0, pl.ds(j * LANES, LANES)]
            for t in range(1, 16):
                acc = acc + red_v[t, pl.ds(j * LANES, LANES)]
            y_v[pl.ds(j * LANES, LANES)] = acc
            return carry

        lax.fori_loop(0, sl // LANES, rbody, 0)
        pltpu.sync_copy(
            y_v.at[pl.ds(0, sl)], out_hbm.at[cid, pl.ds(sid * sl, sl)]
        )

    return matvec


def _tc_update(partial, p, r, x):

    def body(partial_ref, p_ref, r_ref, x_ref, xo_ref, ro_ref, po_ref):
        ap = jnp.sum(partial_ref[...], axis=0) + 200.0 * p_ref[...]
        pv = p_ref[...]
        rv = r_ref[...]
        xv = x_ref[...]
        rs = jnp.sum(rv * rv)
        pap = jnp.sum(pv * ap)
        alpha = rs / (pap + 1e-12)
        xn = xv + alpha * pv
        rn = rv - alpha * ap
        rs_new = jnp.sum(rn * rn)
        beta = rs_new / (rs + 1e-12)
        pn = rn + beta * pv
        xo_ref[...] = xn
        ro_ref[...] = rn
        po_ref[...] = pn

    shp = jax.ShapeDtypeStruct((128, 128), jnp.float32)
    return pl.pallas_call(
        body,
        out_shape=(shp, shp, shp),
    )(partial, p, r, x)


def kernel(A_rows, A_cols, A_values, b):
    n = b.shape[0]
    i32 = jnp.int32
    rows = A_rows.astype(i32)
    cols = A_cols.astype(i32)
    vals = 0.5 * A_values

    e = rows.shape[0]
    per_worker = NW * C
    nch = -(-e // per_worker)
    nch = -(-nch // NB) * NB
    e_pad = NW * nch * C
    pad = e_pad - e
    if pad:
        pad_idx = jnp.arange(pad, dtype=i32) % jnp.int32(n)
        rows = jnp.concatenate([rows, pad_idx])
        cols = jnp.concatenate([cols, pad_idx])
        vals = jnp.concatenate([vals, jnp.zeros((pad,), jnp.float32)])

    packed_idx = jnp.left_shift(cols, 14) | rows
    packed_val = vals

    matvec = _sc_matvec_kernel(nch)

    b2 = b.reshape(128, 128)
    x0 = jnp.zeros((128, 128), jnp.float32)

    def step(_, carry):
        x, r, p = carry
        part = matvec(packed_idx, packed_val, p.reshape(-1))
        x, r, p = _tc_update(part.reshape(2, 128, 128), p, r, x)
        return (x, r, p)

    x, _, _ = lax.fori_loop(0, STEPS, step, (x0, b2, b2))
    return x.reshape(-1)

# --- scband reference (transcript-rebuilt; emitter-appended) ---
"""Pipeline reference for scband-matting-solver-16707422781579 (READ-ONLY COPY).

The authoritative reference and input builder live on the scoring server;
editing this copy changes nothing except your own understanding.
"""

import jax, jax.numpy as jnp
import numpy as np

N = 16384
NNZ = 2621440
STEPS = 30

def setup_inputs(seed: int = 0) -> dict:
    key = jax.random.key(seed)
    k1, k2, k3, k4 = jax.random.split(key, 4)
    A_rows = jax.random.randint(k1, (NNZ,), 0, N, dtype=jnp.int64)
    A_cols = jax.random.randint(k2, (NNZ,), 0, N, dtype=jnp.int64)
    A_values = jax.random.uniform(k3, (NNZ,), dtype=jnp.float32)
    b = jax.random.normal(k4, (N,), dtype=jnp.float32)
    return {"A_rows": A_rows, "A_cols": A_cols, "A_values": A_values, "b": b}


def reference(A_rows, A_cols, A_values, b):
    # Build symmetric, diagonally-dominant sparse matrix in COO form:
    # A_sym = 0.5*(A + A^T) + 200*I  (matting Laplacians are SPD; this mimics that)
    n = b.shape[0]
    diag_idx = jnp.arange(n, dtype=A_rows.dtype)
    rows = jnp.concatenate([A_rows, A_cols, diag_idx])
    cols = jnp.concatenate([A_cols, A_rows, diag_idx])
    vals = jnp.concatenate([0.5 * A_values, 0.5 * A_values,
                            jnp.full((n,), 200.0, dtype=A_values.dtype)])

    def matvec(p):
        # sparse matvec: gather p at cols, multiply, scatter-add into rows
        return jax.ops.segment_sum(vals * jnp.take(p, cols), rows, num_segments=n)

    # sparse conjugate gradient, x0 = zeros(n), fixed number of steps
    x = jnp.zeros(n, dtype=b.dtype)
    r = b - matvec(x)
    p = r
    rs = jnp.dot(r, r)
    for _ in range(STEPS):
        Ap = matvec(p)
        alpha = rs / (jnp.dot(p, Ap) + 1e-12)
        x = x + alpha * p
        r = r - alpha * Ap
        rs_new = jnp.dot(r, r)
        beta = rs_new / (rs + 1e-12)
        p = r + beta * p
        rs = rs_new
    return x

if __name__ == "__main__":
    import jax
    _d = setup_inputs()
    print(jax.jit(kernel)(*tuple(_d.values())))

</pallas_src>

<mosaic_0001>
#map = affine_map<(d0, d1) -> (0)>
#map1 = affine_map<(d0, d1) -> (0, 0)>
module attributes {stable_mosaic.version = 14 : i64} {
  func.func @matvec(%arg0: i32, %arg1: i32, %arg2: memref<2621440xi32, #tpu.memory_space<hbm>>, %arg3: memref<2621440xf32, #tpu.memory_space<hbm>>, %arg4: memref<16384xf32, #tpu.memory_space<hbm>>, %arg5: memref<2x16384xf32, #tpu.memory_space<hbm>>, %arg6: memref<16x16384xf32, #tpu.memory_space<vmem_shared>>, %arg7: memref<16x1024xf32, #tpu.memory_space<vmem>>, %arg8: memref<16384xf32, #tpu.memory_space<vmem>>, %arg9: memref<16384xf32, #tpu.memory_space<vmem>>, %arg10: memref<4096xi32, #tpu.memory_space<vmem>>, %arg11: memref<4096xi32, #tpu.memory_space<vmem>>, %arg12: memref<4096xi32, #tpu.memory_space<vmem>>, %arg13: memref<4096xi32, #tpu.memory_space<vmem>>, %arg14: memref<4096xf32, #tpu.memory_space<vmem>>, %arg15: memref<4096xf32, #tpu.memory_space<vmem>>, %arg16: memref<4096xf32, #tpu.memory_space<vmem>>, %arg17: memref<4096xf32, #tpu.memory_space<vmem>>, %arg18: memref<!tpu.dma_semaphore, #tpu.memory_space<semaphore_mem>>, %arg19: memref<!tpu.dma_semaphore, #tpu.memory_space<semaphore_mem>>, %arg20: memref<!tpu.dma_semaphore, #tpu.memory_space<semaphore_mem>>, %arg21: memref<!tpu.dma_semaphore, #tpu.memory_space<semaphore_mem>>) attributes {dimension_semantics = [#tpu.dimension_semantics<core_parallel>, #tpu.dimension_semantics<subcore_parallel>], iteration_bounds = array<i64: 2, 16>, scalar_prefetch = 0 : i64, scratch_operands = 16 : i64, tpu.core_type = #tpu.core_type<sc_vector_subcore>, window_params = [{transform_indices = #map}, {transform_indices = #map}, {transform_indices = #map}, {transform_indices = #map1}]} {
    %mul3A = arith.constant 2 : i32
    %mul3A_0 = arith.muli %arg1, %mul3A : i32
    %add3A = arith.addi %mul3A_0, %arg0 : i32
    %mul3A_1 = arith.constant 20 : i32
    %mul3A_2 = arith.muli %add3A, %mul3A_1 : i32
    %add3A_3 = arith.constant 0 : i32
    %add3A_4 = arith.addi %mul3A_2, %add3A_3 : i32
    %mul3A_5 = arith.constant 4096 : i32
    %mul3A_6 = arith.muli %add3A_4, %mul3A_5 : i32
    %dma_start3A = tpu.memref_slice %arg2[%mul3A_6] : memref<2621440xi32, #tpu.memory_space<hbm>> -> memref<4096xi32, #tpu.memory_space<hbm>>
    %dma_start3A_7 = tpu.memref_slice %arg2[%mul3A_6] : memref<2621440xi32, #tpu.memory_space<hbm>> -> memref<4096xi32, #tpu.memory_space<hbm>>
    tpu.enqueue_dma source(%dma_start3A_7 : memref<4096xi32, #tpu.memory_space<hbm>>) target(%arg10 : memref<4096xi32, #tpu.memory_space<vmem>>) target_semaphore(%arg18 : memref<!tpu.dma_semaphore, #tpu.memory_space<semaphore_mem>>)
    %add3A_8 = arith.constant 0 : i32
    %add3A_9 = arith.addi %mul3A_2, %add3A_8 : i32
    %mul3A_10 = arith.constant 4096 : i32
    %mul3A_11 = arith.muli %add3A_9, %mul3A_10 : i32
    %dma_start3A_12 = tpu.memref_slice %arg3[%mul3A_11] : memref<2621440xf32, #tpu.memory_space<hbm>> -> memref<4096xf32, #tpu.memory_space<hbm>>
    %dma_start3A_13 = tpu.memref_slice %arg3[%mul3A_11] : memref<2621440xf32, #tpu.memory_space<hbm>> -> memref<4096xf32, #tpu.memory_space<hbm>>
    tpu.enqueue_dma source(%dma_start3A_13 : memref<4096xf32, #tpu.memory_space<hbm>>) target(%arg14 : memref<4096xf32, #tpu.memory_space<vmem>>) target_semaphore(%arg18 : memref<!tpu.dma_semaphore, #tpu.memory_space<semaphore_mem>>)
    %add3A_14 = arith.constant 1 : i32
    %add3A_15 = arith.addi %mul3A_2, %add3A_14 : i32
    %mul3A_16 = arith.constant 4096 : i32
    %mul3A_17 = arith.muli %add3A_15, %mul3A_16 : i32
    %dma_start3A_18 = tpu.memref_slice %arg2[%mul3A_17] : memref<2621440xi32, #tpu.memory_space<hbm>> -> memref<4096xi32, #tpu.memory_space<hbm>>
    %dma_start3A_19 = tpu.memref_slice %arg2[%mul3A_17] : memref<2621440xi32, #tpu.memory_space<hbm>> -> memref<4096xi32, #tpu.memory_space<hbm>>
    tpu.enqueue_dma source(%dma_start3A_19 : memref<4096xi32, #tpu.memory_space<hbm>>) target(%arg11 : memref<4096xi32, #tpu.memory_space<vmem>>) target_semaphore(%arg19 : memref<!tpu.dma_semaphore, #tpu.memory_space<semaphore_mem>>)
    %add3A_20 = arith.constant 1 : i32
    %add3A_21 = arith.addi %mul3A_2, %add3A_20 : i32
    %mul3A_22 = arith.constant 4096 : i32
    %mul3A_23 = arith.muli %add3A_21, %mul3A_22 : i32
    %dma_start3A_24 = tpu.memref_slice %arg3[%mul3A_23] : memref<2621440xf32, #tpu.memory_space<hbm>> -> memref<4096xf32, #tpu.memory_space<hbm>>
    %dma_start3A_25 = tpu.memref_slice %arg3[%mul3A_23] : memref<2621440xf32, #tpu.memory_space<hbm>> -> memref<4096xf32, #tpu.memory_space<hbm>>
    tpu.enqueue_dma source(%dma_start3A_25 : memref<4096xf32, #tpu.memory_space<hbm>>) target(%arg15 : memref<4096xf32, #tpu.memory_space<vmem>>) target_semaphore(%arg19 : memref<!tpu.dma_semaphore, #tpu.memory_space<semaphore_mem>>)
    %add3A_26 = arith.constant 2 : i32
    %add3A_27 = arith.addi %mul3A_2, %add3A_26 : i32
    %mul3A_28 = arith.constant 4096 : i32
    %mul3A_29 = arith.muli %add3A_27, %mul3A_28 : i32
    %dma_start3A_30 = tpu.memref_slice %arg2[%mul3A_29] : memref<2621440xi32, #tpu.memory_space<hbm>> -> memref<4096xi32, #tpu.memory_space<hbm>>
    %dma_start3A_31 = tpu.memref_slice %arg2[%mul3A_29] : memref<2621440xi32, #tpu.memory_space<hbm>> -> memref<4096xi32, #tpu.memory_space<hbm>>
    tpu.enqueue_dma source(%dma_start3A_31 : memref<4096xi32, #tpu.memory_space<hbm>>) target(%arg12 : memref<4096xi32, #tpu.memory_space<vmem>>) target_semaphore(%arg20 : memref<!tpu.dma_semaphore, #tpu.memory_space<semaphore_mem>>)
    %add3A_32 = arith.constant 2 : i32
    %add3A_33 = arith.addi %mul3A_2, %add3A_32 : i32
    %mul3A_34 = arith.constant 4096 : i32
    %mul3A_35 = arith.muli %add3A_33, %mul3A_34 : i32
    %dma_start3A_36 = tpu.memref_slice %arg3[%mul3A_35] : memref<2621440xf32, #tpu.memory_space<hbm>> -> memref<4096xf32, #tpu.memory_space<hbm>>
    %dma_start3A_37 = tpu.memref_slice %arg3[%mul3A_35] : memref<2621440xf32, #tpu.memory_space<hbm>> -> memref<4096xf32, #tpu.memory_space<hbm>>
    tpu.enqueue_dma source(%dma_start3A_37 : memref<4096xf32, #tpu.memory_space<hbm>>) target(%arg16 : memref<4096xf32, #tpu.memory_space<vmem>>) target_semaphore(%arg20 : memref<!tpu.dma_semaphore, #tpu.memory_space<semaphore_mem>>)
    %eq3A = arith.constant 0 : i32
    %eq3A_38 = arith.cmpi eq, %arg1, %eq3A : i32
    %convert_element_type3A = arith.extui %eq3A_38 : i1 to i32
    %cond3A = arith.constant 0 : i32
    %cond3A_39 = arith.cmpi ne, %convert_element_type3A, %cond3A : i32
    scf.if %cond3A_39 {
      %run_scoped3A_63 = arith.constant 0 : i32
      "tpu.region"() ({
        %run_scoped3A_64 = tpu.sem_alloc : memref<!tpu.dma_semaphore, #tpu.memory_space<semaphore_mem>>
        %dma_start3A_65 = arith.constant 0 : i32
        %dma_start3A_66 = tpu.memref_slice %arg6[%run_scoped3A_63, %dma_start3A_65] : memref<16x16384xf32, #tpu.memory_space<vmem_shared>> -> memref<1x16384xf32, #tpu.memory_space<vmem_shared>>
        %dma_start3A_67 = tpu.memref_squeeze %dma_start3A_66 : memref<1x16384xf32, #tpu.memory_space<vmem_shared>> -> memref<16384xf32, #tpu.memory_space<vmem_shared>>
        tpu.enqueue_dma source(%arg4 : memref<16384xf32, #tpu.memory_space<hbm>>) target(%dma_start3A_67 : memref<16384xf32, #tpu.memory_space<vmem_shared>>) target_semaphore(%run_scoped3A_64 : memref<!tpu.dma_semaphore, #tpu.memory_space<semaphore_mem>>)
        %dma_wait3A = arith.constant 0 : i32
        %dma_wait3A_68 = tpu.memref_slice %arg6[%run_scoped3A_63, %dma_wait3A] : memref<16x16384xf32, #tpu.memory_space<vmem_shared>> -> memref<1x16384xf32, #tpu.memory_space<vmem_shared>>
        %dma_wait3A_69 = tpu.memref_squeeze %dma_wait3A_68 : memref<1x16384xf32, #tpu.memory_space<vmem_shared>> -> memref<16384xf32, #tpu.memory_space<vmem_shared>>
        tpu.wait_dma2 semaphore(%run_scoped3A_64 : memref<!tpu.dma_semaphore, #tpu.memory_space<semaphore_mem>>) src(%arg4 : memref<16384xf32, #tpu.memory_space<hbm>>) dst(%dma_wait3A_69 : memref<16384xf32, #tpu.memory_space<vmem_shared>>)
        tpu.yield
      }) : () -> ()
    } else {
    }
    %scan3A = arith.constant 0 : i32
    %scan3A_40 = arith.constant 0 : i32
    %scan3A_41 = arith.constant 1024 : i32
    %scan3A_42 = arith.addi %scan3A_40, %scan3A_41 : i32
    %scan3A_43 = arith.constant 8 : i32
    scf.for %scan3A_63 = %scan3A_40 to %scan3A_42 step %scan3A_43  : i32 {
      %broadcast_in_dim3A = arith.constant 0.000000e+00 : f32
      %broadcast_in_dim3A_64 = vector.broadcast %broadcast_in_dim3A : f32 to vector<16xf32>
      %mul3A_65 = arith.constant 16 : i32
      %mul3A_66 = arith.muli %scan3A_63, %mul3A_65 : i32
      %swap3A = arith.index_cast %mul3A_66 : i32 to index
      %swap3A_67 = tpu.vector_load %arg9[%swap3A] {strides = array<i32>} : memref<16384xf32, #tpu.memory_space<vmem>>, vector<16xf32>,
      tpu.vector_store %arg9[%swap3A], %broadcast_in_dim3A_64 {strides = array<i32>} : memref<16384xf32, #tpu.memory_space<vmem>>, vector<16xf32>,
      %scan3A_68 = arith.constant 1 : i32
      %scan3A_69 = arith.addi %scan3A_63, %scan3A_68 : i32
      %broadcast_in_dim3A_70 = arith.constant 0.000000e+00 : f32
      %broadcast_in_dim3A_71 = vector.broadcast %broadcast_in_dim3A_70 : f32 to vector<16xf32>
      %mul3A_72 = arith.constant 16 : i32
      %mul3A_73 = arith.muli %scan3A_69, %mul3A_72 : i32
      %swap3A_74 = arith.index_cast %mul3A_73 : i32 to index
      %swap3A_75 = tpu.vector_load %arg9[%swap3A_74] {strides = array<i32>} : memref<16384xf32, #tpu.memory_space<vmem>>, vector<16xf32>,
      tpu.vector_store %arg9[%swap3A_74], %broadcast_in_dim3A_71 {strides = array<i32>} : memref<16384xf32, #tpu.memory_space<vmem>>, vector<16xf32>,
      %scan3A_76 = arith.constant 2 : i32
      %scan3A_77 = arith.addi %scan3A_63, %scan3A_76 : i32
      %broadcast_in_dim3A_78 = arith.constant 0.000000e+00 : f32
      %broadcast_in_dim3A_79 = vector.broadcast %broadcast_in_dim3A_78 : f32 to vector<16xf32>
      %mul3A_80 = arith.constant 16 : i32
      %mul3A_81 = arith.muli %scan3A_77, %mul3A_80 : i32
      %swap3A_82 = arith.index_cast %mul3A_81 : i32 to index
      %swap3A_83 = tpu.vector_load %arg9[%swap3A_82] {strides = array<i32>} : memref<16384xf32, #tpu.memory_space<vmem>>, vector<16xf32>,
      tpu.vector_store %arg9[%swap3A_82], %broadcast_in_dim3A_79 {strides = array<i32>} : memref<16384xf32, #tpu.memory_space<vmem>>, vector<16xf32>,
      %scan3A_84 = arith.constant 3 : i32
      %scan3A_85 = arith.addi %scan3A_63, %scan3A_84 : i32
      %broadcast_in_dim3A_86 = arith.constant 0.000000e+00 : f32
      %broadcast_in_dim3A_87 = vector.broadcast %broadcast_in_dim3A_86 : f32 to vector<16xf32>
      %mul3A_88 = arith.constant 16 : i32
      %mul3A_89 = arith.muli %scan3A_85, %mul3A_88 : i32
      %swap3A_90 = arith.index_cast %mul3A_89 : i32 to index
      %swap3A_91 = tpu.vector_load %arg9[%swap3A_90] {strides = array<i32>} : memref<16384xf32, #tpu.memory_space<vmem>>, vector<16xf32>,
      tpu.vector_store %arg9[%swap3A_90], %broadcast_in_dim3A_87 {strides = array<i32>} : memref<16384xf32, #tpu.memory_space<vmem>>, vector<16xf32>,
      %scan3A_92 = arith.constant 4 : i32
      %scan3A_93 = arith.addi %scan3A_63, %scan3A_92 : i32
      %broadcast_in_dim3A_94 = arith.constant 0.000000e+00 : f32
      %broadcast_in_dim3A_95 = vector.broadcast %broadcast_in_dim3A_94 : f32 to vector<16xf32>
      %mul3A_96 = arith.constant 16 : i32
      %mul3A_97 = arith.muli %scan3A_93, %mul3A_96 : i32
      %swap3A_98 = arith.index_cast %mul3A_97 : i32 to index
      %swap3A_99 = tpu.vector_load %arg9[%swap3A_98] {strides = array<i32>} : memref<16384xf32, #tpu.memory_space<vmem>>, vector<16xf32>,
      tpu.vector_store %arg9[%swap3A_98], %broadcast_in_dim3A_95 {strides = array<i32>} : memref<16384xf32, #tpu.memory_space<vmem>>, vector<16xf32>,
      %scan3A_100 = arith.constant 5 : i32
      %scan3A_101 = arith.addi %scan3A_63, %scan3A_100 : i32
      %broadcast_in_dim3A_102 = arith.constant 0.000000e+00 : f32
      %broadcast_in_dim3A_103 = vector.broadcast %broadcast_in_dim3A_102 : f32 to vector<16xf32>
      %mul3A_104 = arith.constant 16 : i32
      %mul3A_105 = arith.muli %scan3A_101, %mul3A_104 : i32
      %swap3A_106 = arith.index_cast %mul3A_105 : i32 to index
      %swap3A_107 = tpu.vector_load %arg9[%swap3A_106] {strides = array<i32>} : memref<16384xf32, #tpu.memory_space<vmem>>, vector<16xf32>,
      tpu.vector_store %arg9[%swap3A_106], %broadcast_in_dim3A_103 {strides = array<i32>} : memref<16384xf32, #tpu.memory_space<vmem>>, vector<16xf32>,
      %scan3A_108 = arith.constant 6 : i32
      %scan3A_109 = arith.addi %scan3A_63, %scan3A_108 : i32
      %broadcast_in_dim3A_110 = arith.constant 0.000000e+00 : f32
      %broadcast_in_dim3A_111 = vector.broadcast %broadcast_in_dim3A_110 : f32 to vector<16xf32>
      %mul3A_112 = arith.constant 16 : i32
      %mul3A_113 = arith.muli %scan3A_109, %mul3A_112 : i32
      %swap3A_114 = arith.index_cast %mul3A_113 : i32 to index
      %swap3A_115 = tpu.vector_load %arg9[%swap3A_114] {strides = array<i32>} : memref<16384xf32, #tpu.memory_space<vmem>>, vector<16xf32>,
      tpu.vector_store %arg9[%swap3A_114], %broadcast_in_dim3A_111 {strides = array<i32>} : memref<16384xf32, #tpu.memory_space<vmem>>, vector<16xf32>,
      %scan3A_116 = arith.constant 7 : i32
      %scan3A_117 = arith.addi %scan3A_63, %scan3A_116 : i32
      %broadcast_in_dim3A_118 = arith.constant 0.000000e+00 : f32
      %broadcast_in_dim3A_119 = vector.broadcast %broadcast_in_dim3A_118 : f32 to vector<16xf32>
      %mul3A_120 = arith.constant 16 : i32
      %mul3A_121 = arith.muli %scan3A_117, %mul3A_120 : i32
      %swap3A_122 = arith.index_cast %mul3A_121 : i32 to index
      %swap3A_123 = tpu.vector_load %arg9[%swap3A_122] {strides = array<i32>} : memref<16384xf32, #tpu.memory_space<vmem>>, vector<16xf32>,
      tpu.vector_store %arg9[%swap3A_122], %broadcast_in_dim3A_119 {strides = array<i32>} : memref<16384xf32, #tpu.memory_space<vmem>>, vector<16xf32>,
    }
    %scan3A_44 = arith.constant 1024 : i32
    %barrier3A = arith.constant 0 : index
    tpu.barrier barrier_id(%barrier3A)
    %run_scoped3A = arith.constant 0 : i32
    "tpu.region"() ({
      %run_scoped3A_63 = tpu.sem_alloc : memref<!tpu.dma_semaphore, #tpu.memory_space<semaphore_mem>>
      %dma_start3A_64 = arith.constant 0 : i32
      %dma_start3A_65 = tpu.memref_slice %arg6[%run_scoped3A, %dma_start3A_64] : memref<16x16384xf32, #tpu.memory_space<vmem_shared>> -> memref<1x16384xf32, #tpu.memory_space<vmem_shared>>
      %dma_start3A_66 = tpu.memref_squeeze %dma_start3A_65 : memref<1x16384xf32, #tpu.memory_space<vmem_shared>> -> memref<16384xf32, #tpu.memory_space<vmem_shared>>
      %dma_start3A_67 = arith.constant 0 : i32
      %dma_start3A_68 = tpu.memref_slice %arg6[%run_scoped3A, %dma_start3A_67] : memref<16x16384xf32, #tpu.memory_space<vmem_shared>> -> memref<1x16384xf32, #tpu.memory_space<vmem_shared>>
      %dma_start3A_69 = tpu.memref_squeeze %dma_start3A_68 : memref<1x16384xf32, #tpu.memory_space<vmem_shared>> -> memref<16384xf32, #tpu.memory_space<vmem_shared>>
      tpu.enqueue_dma source(%dma_start3A_69 : memref<16384xf32, #tpu.memory_space<vmem_shared>>) target(%arg8 : memref<16384xf32, #tpu.memory_space<vmem>>) target_semaphore(%run_scoped3A_63 : memref<!tpu.dma_semaphore, #tpu.memory_space<semaphore_mem>>)
      %dma_wait3A = arith.constant 0 : i32
      %dma_wait3A_70 = tpu.memref_slice %arg6[%run_scoped3A, %dma_wait3A] : memref<16x16384xf32, #tpu.memory_space<vmem_shared>> -> memref<1x16384xf32, #tpu.memory_space<vmem_shared>>
      %dma_wait3A_71 = tpu.memref_squeeze %dma_wait3A_70 : memref<1x16384xf32, #tpu.memory_space<vmem_shared>> -> memref<16384xf32, #tpu.memory_space<vmem_shared>>
      %dma_wait3A_72 = arith.constant 0 : i32
      %dma_wait3A_73 = tpu.memref_slice %arg6[%run_scoped3A, %dma_wait3A_72] : memref<16x16384xf32, #tpu.memory_space<vmem_shared>> -> memref<1x16384xf32, #tpu.memory_space<vmem_shared>>
      %dma_wait3A_74 = tpu.memref_squeeze %dma_wait3A_73 : memref<1x16384xf32, #tpu.memory_space<vmem_shared>> -> memref<16384xf32, #tpu.memory_space<vmem_shared>>
      tpu.wait_dma2 semaphore(%run_scoped3A_63 : memref<!tpu.dma_semaphore, #tpu.memory_space<semaphore_mem>>) src(%dma_wait3A_74 : memref<16384xf32, #tpu.memory_space<vmem_shared>>) dst(%arg8 : memref<16384xf32, #tpu.memory_space<vmem>>)
      tpu.yield
    }) : () -> ()
    %barrier3A_45 = arith.constant 0 : index
    tpu.barrier barrier_id(%barrier3A_45)
    %scan3A_46 = arith.constant 0 : i32
    %scan3A_47 = arith.constant 0 : i32
    %scan3A_48 = arith.constant 5 : i32
    %scan3A_49 = arith.addi %scan3A_47, %scan3A_48 : i32
    %scan3A_50 = arith.constant 1 : i32
    scf.for %scan3A_63 = %scan3A_47 to %scan3A_49 step %scan3A_50  : i32 {
      %mul3A_64 = arith.constant 4 : i32
      %mul3A_65 = arith.muli %scan3A_63, %mul3A_64 : i32
      %add3A_66 = arith.constant 0 : i32
      %add3A_67 = arith.addi %mul3A_65, %add3A_66 : i32
      %add3A_68 = arith.constant 4 : i32
      %add3A_69 = arith.addi %add3A_67, %add3A_68 : i32
      %sub3A = arith.constant 1 : i32
      %sub3A_70 = arith.subi %add3A_69, %sub3A : i32
      %lt3A = arith.constant 20 : i32
      %lt3A_71 = arith.cmpi slt, %sub3A_70, %lt3A : i32
      %convert_element_type3A_72 = arith.extui %lt3A_71 : i1 to i32
      %cond3A_73 = arith.constant 0 : i32
      %cond3A_74 = arith.cmpi ne, %convert_element_type3A_72, %cond3A_73 : i32
      scf.if %cond3A_74 {
        %add3A_163 = arith.constant 4 : i32
        %add3A_164 = arith.addi %add3A_67, %add3A_163 : i32
        %sub3A_165 = arith.constant 1 : i32
        %sub3A_166 = arith.subi %add3A_164, %sub3A_165 : i32
        %add3A_167 = arith.addi %mul3A_2, %sub3A_166 : i32
        %mul3A_168 = arith.constant 4096 : i32
        %mul3A_169 = arith.muli %add3A_167, %mul3A_168 : i32
        %dma_start3A_170 = tpu.memref_slice %arg2[%mul3A_169] : memref<2621440xi32, #tpu.memory_space<hbm>> -> memref<4096xi32, #tpu.memory_space<hbm>>
        %dma_start3A_171 = tpu.memref_slice %arg2[%mul3A_169] : memref<2621440xi32, #tpu.memory_space<hbm>> -> memref<4096xi32, #tpu.memory_space<hbm>>
        tpu.enqueue_dma source(%dma_start3A_171 : memref<4096xi32, #tpu.memory_space<hbm>>) target(%arg13 : memref<4096xi32, #tpu.memory_space<vmem>>) target_semaphore(%arg21 : memref<!tpu.dma_semaphore, #tpu.memory_space<semaphore_mem>>)
        %add3A_172 = arith.addi %mul3A_2, %sub3A_166 : i32
        %mul3A_173 = arith.constant 4096 : i32
        %mul3A_174 = arith.muli %add3A_172, %mul3A_173 : i32
        %dma_start3A_175 = tpu.memref_slice %arg3[%mul3A_174] : memref<2621440xf32, #tpu.memory_space<hbm>> -> memref<4096xf32, #tpu.memory_space<hbm>>
        %dma_start3A_176 = tpu.memref_slice %arg3[%mul3A_174] : memref<2621440xf32, #tpu.memory_space<hbm>> -> memref<4096xf32, #tpu.memory_space<hbm>>
        tpu.enqueue_dma source(%dma_start3A_176 : memref<4096xf32, #tpu.memory_space<hbm>>) target(%arg17 : memref<4096xf32, #tpu.memory_space<vmem>>) target_semaphore(%arg21 : memref<!tpu.dma_semaphore, #tpu.memory_space<semaphore_mem>>)
      } else {
      }
      %dma_wait3A = arith.constant 0 : i32
      %dma_wait3A_75 = tpu.memref_slice %arg2[%dma_wait3A] : memref<2621440xi32, #tpu.memory_space<hbm>> -> memref<4096xi32, #tpu.memory_space<hbm>>
      %dma_wait3A_76 = arith.constant 0 : i32
      %dma_wait3A_77 = tpu.memref_slice %arg2[%dma_wait3A_76] : memref<2621440xi32, #tpu.memory_space<hbm>> -> memref<4096xi32, #tpu.memory_space<hbm>>
      tpu.wait_dma2 semaphore(%arg18 : memref<!tpu.dma_semaphore, #tpu.memory_space<semaphore_mem>>) src(%dma_wait3A_77 : memref<4096xi32, #tpu.memory_space<hbm>>) dst(%arg10 : memref<4096xi32, #tpu.memory_space<vmem>>)
      %dma_wait3A_78 = arith.constant 0 : i32
      %dma_wait3A_79 = tpu.memref_slice %arg3[%dma_wait3A_78] : memref<2621440xf32, #tpu.memory_space<hbm>> -> memref<4096xf32, #tpu.memory_space<hbm>>
      %dma_wait3A_80 = arith.constant 0 : i32
      %dma_wait3A_81 = tpu.memref_slice %arg3[%dma_wait3A_80] : memref<2621440xf32, #tpu.memory_space<hbm>> -> memref<4096xf32, #tpu.memory_space<hbm>>
      tpu.wait_dma2 semaphore(%arg18 : memref<!tpu.dma_semaphore, #tpu.memory_space<semaphore_mem>>) src(%dma_wait3A_81 : memref<4096xf32, #tpu.memory_space<hbm>>) dst(%arg14 : memref<4096xf32, #tpu.memory_space<vmem>>)
      %scan3A_82 = arith.constant 0 : i32
      %scan3A_83 = arith.constant 0 : i32
      %scan3A_84 = arith.constant 32 : i32
      %scan3A_85 = arith.addi %scan3A_83, %scan3A_84 : i32
      %scan3A_86 = arith.constant 1 : i32
      scf.for %scan3A_163 = %scan3A_83 to %scan3A_85 step %scan3A_86  : i32 {
        %mul3A_164 = arith.constant 128 : i32
        %mul3A_165 = arith.muli %scan3A_163, %mul3A_164 : i32
        %add3A_166 = arith.constant 0 : i32
        %add3A_167 = arith.addi %mul3A_165, %add3A_166 : i32
        %get3A = arith.index_cast %add3A_167 : i32 to index
        %get3A_168 = tpu.vector_load %arg10[%get3A] {strides = array<i32>} : memref<4096xi32, #tpu.memory_space<vmem>>, vector<16xi32>,
        %add3A_169 = arith.constant 16 : i32
        %add3A_170 = arith.addi %mul3A_165, %add3A_169 : i32
        %get3A_171 = arith.index_cast %add3A_170 : i32 to index
        %get3A_172 = tpu.vector_load %arg10[%get3A_171] {strides = array<i32>} : memref<4096xi32, #tpu.memory_space<vmem>>, vector<16xi32>,
        %add3A_173 = arith.constant 32 : i32
        %add3A_174 = arith.addi %mul3A_165, %add3A_173 : i32
        %get3A_175 = arith.index_cast %add3A_174 : i32 to index
        %get3A_176 = tpu.vector_load %arg10[%get3A_175] {strides = array<i32>} : memref<4096xi32, #tpu.memory_space<vmem>>, vector<16xi32>,
        %add3A_177 = arith.constant 48 : i32
        %add3A_178 = arith.addi %mul3A_165, %add3A_177 : i32
        %get3A_179 = arith.index_cast %add3A_178 : i32 to index
        %get3A_180 = tpu.vector_load %arg10[%get3A_179] {strides = array<i32>} : memref<4096xi32, #tpu.memory_space<vmem>>, vector<16xi32>,
        %add3A_181 = arith.constant 64 : i32
        %add3A_182 = arith.addi %mul3A_165, %add3A_181 : i32
        %get3A_183 = arith.index_cast %add3A_182 : i32 to index
        %get3A_184 = tpu.vector_load %arg10[%get3A_183] {strides = array<i32>} : memref<4096xi32, #tpu.memory_space<vmem>>, vector<16xi32>,
        %add3A_185 = arith.constant 80 : i32
        %add3A_186 = arith.addi %mul3A_165, %add3A_185 : i32
        %get3A_187 = arith.index_cast %add3A_186 : i32 to index
        %get3A_188 = tpu.vector_load %arg10[%get3A_187] {strides = array<i32>} : memref<4096xi32, #tpu.memory_space<vmem>>, vector<16xi32>,
        %add3A_189 = arith.constant 96 : i32
        %add3A_190 = arith.addi %mul3A_165, %add3A_189 : i32
        %get3A_191 = arith.index_cast %add3A_190 : i32 to index
        %get3A_192 = tpu.vector_load %arg10[%get3A_191] {strides = array<i32>} : memref<4096xi32, #tpu.memory_space<vmem>>, vector<16xi32>,
        %add3A_193 = arith.constant 112 : i32
        %add3A_194 = arith.addi %mul3A_165, %add3A_193 : i32
        %get3A_195 = arith.index_cast %add3A_194 : i32 to index
        %get3A_196 = tpu.vector_load %arg10[%get3A_195] {strides = array<i32>} : memref<4096xi32, #tpu.memory_space<vmem>>, vector<16xi32>,
        %add3A_197 = arith.constant 0 : i32
        %add3A_198 = arith.addi %mul3A_165, %add3A_197 : i32
        %get3A_199 = arith.index_cast %add3A_198 : i32 to index
        %get3A_200 = tpu.vector_load %arg14[%get3A_199] {strides = array<i32>} : memref<4096xf32, #tpu.memory_space<vmem>>, vector<16xf32>,
        %add3A_201 = arith.constant 16 : i32
        %add3A_202 = arith.addi %mul3A_165, %add3A_201 : i32
        %get3A_203 = arith.index_cast %add3A_202 : i32 to index
        %get3A_204 = tpu.vector_load %arg14[%get3A_203] {strides = array<i32>} : memref<4096xf32, #tpu.memory_space<vmem>>, vector<16xf32>,
        %add3A_205 = arith.constant 32 : i32
        %add3A_206 = arith.addi %mul3A_165, %add3A_205 : i32
        %get3A_207 = arith.index_cast %add3A_206 : i32 to index
        %get3A_208 = tpu.vector_load %arg14[%get3A_207] {strides = array<i32>} : memref<4096xf32, #tpu.memory_space<vmem>>, vector<16xf32>,
        %add3A_209 = arith.constant 48 : i32
        %add3A_210 = arith.addi %mul3A_165, %add3A_209 : i32
        %get3A_211 = arith.index_cast %add3A_210 : i32 to index
        %get3A_212 = tpu.vector_load %arg14[%get3A_211] {strides = array<i32>} : memref<4096xf32, #tpu.memory_space<vmem>>, vector<16xf32>,
        %add3A_213 = arith.constant 64 : i32
        %add3A_214 = arith.addi %mul3A_165, %add3A_213 : i32
        %get3A_215 = arith.index_cast %add3A_214 : i32 to index
        %get3A_216 = tpu.vector_load %arg14[%get3A_215] {strides = array<i32>} : memref<4096xf32, #tpu.memory_space<vmem>>, vector<16xf32>,
        %add3A_217 = arith.constant 80 : i32
        %add3A_218 = arith.addi %mul3A_165, %add3A_217 : i32
        %get3A_219 = arith.index_cast %add3A_218 : i32 to index
        %get3A_220 = tpu.vector_load %arg14[%get3A_219] {strides = array<i32>} : memref<4096xf32, #tpu.memory_space<vmem>>, vector<16xf32>,
        %add3A_221 = arith.constant 96 : i32
        %add3A_222 = arith.addi %mul3A_165, %add3A_221 : i32
        %get3A_223 = arith.index_cast %add3A_222 : i32 to index
        %get3A_224 = tpu.vector_load %arg14[%get3A_223] {strides = array<i32>} : memref<4096xf32, #tpu.memory_space<vmem>>, vector<16xf32>,
        %add3A_225 = arith.constant 112 : i32
        %add3A_226 = arith.addi %mul3A_165, %add3A_225 : i32
        %get3A_227 = arith.index_cast %add3A_226 : i32 to index
        %get3A_228 = tpu.vector_load %arg14[%get3A_227] {strides = array<i32>} : memref<4096xf32, #tpu.memory_space<vmem>>, vector<16xf32>,
        %and3A = arith.constant 16383 : i32
        %and3A_229 = vector.broadcast %and3A : i32 to vector<16xi32>
        %and3A_230 = arith.andi %get3A_168, %and3A_229 : vector<16xi32>
        %and3A_231 = arith.constant 16383 : i32
        %and3A_232 = vector.broadcast %and3A_231 : i32 to vector<16xi32>
        %and3A_233 = arith.andi %get3A_172, %and3A_232 : vector<16xi32>
        %and3A_234 = arith.constant 16383 : i32
        %and3A_235 = vector.broadcast %and3A_234 : i32 to vector<16xi32>
        %and3A_236 = arith.andi %get3A_176, %and3A_235 : vector<16xi32>
        %and3A_237 = arith.constant 16383 : i32
        %and3A_238 = vector.broadcast %and3A_237 : i32 to vector<16xi32>
        %and3A_239 = arith.andi %get3A_180, %and3A_238 : vector<16xi32>
        %and3A_240 = arith.constant 16383 : i32
        %and3A_241 = vector.broadcast %and3A_240 : i32 to vector<16xi32>
        %and3A_242 = arith.andi %get3A_184, %and3A_241 : vector<16xi32>
        %and3A_243 = arith.constant 16383 : i32
        %and3A_244 = vector.broadcast %and3A_243 : i32 to vector<16xi32>
        %and3A_245 = arith.andi %get3A_188, %and3A_244 : vector<16xi32>
        %and3A_246 = arith.constant 16383 : i32
        %and3A_247 = vector.broadcast %and3A_246 : i32 to vector<16xi32>
        %and3A_248 = arith.andi %get3A_192, %and3A_247 : vector<16xi32>
        %and3A_249 = arith.constant 16383 : i32
        %and3A_250 = vector.broadcast %and3A_249 : i32 to vector<16xi32>
        %and3A_251 = arith.andi %get3A_196, %and3A_250 : vector<16xi32>
        %shift_right_logical3A = arith.constant 14 : i32
        %shift_right_logical3A_252 = vector.broadcast %shift_right_logical3A : i32 to vector<16xi32>
        %shift_right_logical3A_253 = arith.shrui %get3A_168, %shift_right_logical3A_252 : vector<16xi32>
        %shift_right_logical3A_254 = arith.constant 14 : i32
        %shift_right_logical3A_255 = vector.broadcast %shift_right_logical3A_254 : i32 to vector<16xi32>
        %shift_right_logical3A_256 = arith.shrui %get3A_172, %shift_right_logical3A_255 : vector<16xi32>
        %shift_right_logical3A_257 = arith.constant 14 : i32
        %shift_right_logical3A_258 = vector.broadcast %shift_right_logical3A_257 : i32 to vector<16xi32>
        %shift_right_logical3A_259 = arith.shrui %get3A_176, %shift_right_logical3A_258 : vector<16xi32>
        %shift_right_logical3A_260 = arith.constant 14 : i32
        %shift_right_logical3A_261 = vector.broadcast %shift_right_logical3A_260 : i32 to vector<16xi32>
        %shift_right_logical3A_262 = arith.shrui %get3A_180, %shift_right_logical3A_261 : vector<16xi32>
        %shift_right_logical3A_263 = arith.constant 14 : i32
        %shift_right_logical3A_264 = vector.broadcast %shift_right_logical3A_263 : i32 to vector<16xi32>
        %shift_right_logical3A_265 = arith.shrui %get3A_184, %shift_right_logical3A_264 : vector<16xi32>
        %shift_right_logical3A_266 = arith.constant 14 : i32
        %shift_right_logical3A_267 = vector.broadcast %shift_right_logical3A_266 : i32 to vector<16xi32>
        %shift_right_logical3A_268 = arith.shrui %get3A_188, %shift_right_logical3A_267 : vector<16xi32>
        %shift_right_logical3A_269 = arith.constant 14 : i32
        %shift_right_logical3A_270 = vector.broadcast %shift_right_logical3A_269 : i32 to vector<16xi32>
        %shift_right_logical3A_271 = arith.shrui %get3A_192, %shift_right_logical3A_270 : vector<16xi32>
        %shift_right_logical3A_272 = arith.constant 14 : i32
        %shift_right_logical3A_273 = vector.broadcast %shift_right_logical3A_272 : i32 to vector<16xi32>
        %shift_right_logical3A_274 = arith.shrui %get3A_196, %shift_right_logical3A_273 : vector<16xi32>
        %gather3A = tpu.vector_load_idx %arg8[%shift_right_logical3A_253] : memref<16384xf32, #tpu.memory_space<vmem>>[vector<16xi32>], vector<16xf32>,
        %gather3A_275 = tpu.vector_load_idx %arg8[%shift_right_logical3A_256] : memref<16384xf32, #tpu.memory_space<vmem>>[vector<16xi32>], vector<16xf32>,
        %gather3A_276 = tpu.vector_load_idx %arg8[%shift_right_logical3A_259] : memref<16384xf32, #tpu.memory_space<vmem>>[vector<16xi32>], vector<16xf32>,
        %gather3A_277 = tpu.vector_load_idx %arg8[%shift_right_logical3A_262] : memref<16384xf32, #tpu.memory_space<vmem>>[vector<16xi32>], vector<16xf32>,
        %gather3A_278 = tpu.vector_load_idx %arg8[%shift_right_logical3A_265] : memref<16384xf32, #tpu.memory_space<vmem>>[vector<16xi32>], vector<16xf32>,
        %gather3A_279 = tpu.vector_load_idx %arg8[%shift_right_logical3A_268] : memref<16384xf32, #tpu.memory_space<vmem>>[vector<16xi32>], vector<16xf32>,
        %gather3A_280 = tpu.vector_load_idx %arg8[%shift_right_logical3A_271] : memref<16384xf32, #tpu.memory_space<vmem>>[vector<16xi32>], vector<16xf32>,
        %gather3A_281 = tpu.vector_load_idx %arg8[%shift_right_logical3A_274] : memref<16384xf32, #tpu.memory_space<vmem>>[vector<16xi32>], vector<16xf32>,
        %gather3A_282 = tpu.vector_load_idx %arg8[%and3A_230] : memref<16384xf32, #tpu.memory_space<vmem>>[vector<16xi32>], vector<16xf32>,
        %gather3A_283 = tpu.vector_load_idx %arg8[%and3A_233] : memref<16384xf32, #tpu.memory_space<vmem>>[vector<16xi32>], vector<16xf32>,
        %gather3A_284 = tpu.vector_load_idx %arg8[%and3A_236] : memref<16384xf32, #tpu.memory_space<vmem>>[vector<16xi32>], vector<16xf32>,
        %gather3A_285 = tpu.vector_load_idx %arg8[%and3A_239] : memref<16384xf32, #tpu.memory_space<vmem>>[vector<16xi32>], vector<16xf32>,
        %gather3A_286 = tpu.vector_load_idx %arg8[%and3A_242] : memref<16384xf32, #tpu.memory_space<vmem>>[vector<16xi32>], vector<16xf32>,
        %gather3A_287 = tpu.vector_load_idx %arg8[%and3A_245] : memref<16384xf32, #tpu.memory_space<vmem>>[vector<16xi32>], vector<16xf32>,
        %gather3A_288 = tpu.vector_load_idx %arg8[%and3A_248] : memref<16384xf32, #tpu.memory_space<vmem>>[vector<16xi32>], vector<16xf32>,
        %gather3A_289 = tpu.vector_load_idx %arg8[%and3A_251] : memref<16384xf32, #tpu.memory_space<vmem>>[vector<16xi32>], vector<16xf32>,
        %mul3A_290 = arith.mulf %get3A_200, %gather3A : vector<16xf32>
        tpu.vector_store_idx %arg9[%and3A_230], %mul3A_290 {add = true} : memref<16384xf32, #tpu.memory_space<vmem>>[vector<16xi32>], vector<16xf32>,
        %mul3A_291 = arith.mulf %get3A_204, %gather3A_275 : vector<16xf32>
        tpu.vector_store_idx %arg9[%and3A_233], %mul3A_291 {add = true} : memref<16384xf32, #tpu.memory_space<vmem>>[vector<16xi32>], vector<16xf32>,
        %mul3A_292 = arith.mulf %get3A_208, %gather3A_276 : vector<16xf32>
        tpu.vector_store_idx %arg9[%and3A_236], %mul3A_292 {add = true} : memref<16384xf32, #tpu.memory_space<vmem>>[vector<16xi32>], vector<16xf32>,
        %mul3A_293 = arith.mulf %get3A_212, %gather3A_277 : vector<16xf32>
        tpu.vector_store_idx %arg9[%and3A_239], %mul3A_293 {add = true} : memref<16384xf32, #tpu.memory_space<vmem>>[vector<16xi32>], vector<16xf32>,
        %mul3A_294 = arith.mulf %get3A_216, %gather3A_278 : vector<16xf32>
        tpu.vector_store_idx %arg9[%and3A_242], %mul3A_294 {add = true} : memref<16384xf32, #tpu.memory_space<vmem>>[vector<16xi32>], vector<16xf32>,
        %mul3A_295 = arith.mulf %get3A_220, %gather3A_279 : vector<16xf32>
        tpu.vector_store_idx %arg9[%and3A_245], %mul3A_295 {add = true} : memref<16384xf32, #tpu.memory_space<vmem>>[vector<16xi32>], vector<16xf32>,
        %mul3A_296 = arith.mulf %get3A_224, %gather3A_280 : vector<16xf32>
        tpu.vector_store_idx %arg9[%and3A_248], %mul3A_296 {add = true} : memref<16384xf32, #tpu.memory_space<vmem>>[vector<16xi32>], vector<16xf32>,
        %mul3A_297 = arith.mulf %get3A_228, %gather3A_281 : vector<16xf32>
        tpu.vector_store_idx %arg9[%and3A_251], %mul3A_297 {add = true} : memref<16384xf32, #tpu.memory_space<vmem>>[vector<16xi32>], vector<16xf32>,
        %mul3A_298 = arith.mulf %get3A_200, %gather3A_282 : vector<16xf32>
        tpu.vector_store_idx %arg9[%shift_right_logical3A_253], %mul3A_298 {add = true} : memref<16384xf32, #tpu.memory_space<vmem>>[vector<16xi32>], vector<16xf32>,
        %mul3A_299 = arith.mulf %get3A_204, %gather3A_283 : vector<16xf32>
        tpu.vector_store_idx %arg9[%shift_right_logical3A_256], %mul3A_299 {add = true} : memref<16384xf32, #tpu.memory_space<vmem>>[vector<16xi32>], vector<16xf32>,
        %mul3A_300 = arith.mulf %get3A_208, %gather3A_284 : vector<16xf32>
        tpu.vector_store_idx %arg9[%shift_right_logical3A_259], %mul3A_300 {add = true} : memref<16384xf32, #tpu.memory_space<vmem>>[vector<16xi32>], vector<16xf32>,
        %mul3A_301 = arith.mulf %get3A_212, %gather3A_285 : vector<16xf32>
        tpu.vector_store_idx %arg9[%shift_right_logical3A_262], %mul3A_301 {add = true} : memref<16384xf32, #tpu.memory_space<vmem>>[vector<16xi32>], vector<16xf32>,
        %mul3A_302 = arith.mulf %get3A_216, %gather3A_286 : vector<16xf32>
        tpu.vector_store_idx %arg9[%shift_right_logical3A_265], %mul3A_302 {add = true} : memref<16384xf32, #tpu.memory_space<vmem>>[vector<16xi32>], vector<16xf32>,
        %mul3A_303 = arith.mulf %get3A_220, %gather3A_287 : vector<16xf32>
        tpu.vector_store_idx %arg9[%shift_right_logical3A_268], %mul3A_303 {add = true} : memref<16384xf32, #tpu.memory_space<vmem>>[vector<16xi32>], vector<16xf32>,
        %mul3A_304 = arith.mulf %get3A_224, %gather3A_288 : vector<16xf32>
        tpu.vector_store_idx %arg9[%shift_right_logical3A_271], %mul3A_304 {add = true} : memref<16384xf32, #tpu.memory_space<vmem>>[vector<16xi32>], vector<16xf32>,
        %mul3A_305 = arith.mulf %get3A_228, %gather3A_289 : vector<16xf32>
        tpu.vector_store_idx %arg9[%shift_right_logical3A_274], %mul3A_305 {add = true} : memref<16384xf32, #tpu.memory_space<vmem>>[vector<16xi32>], vector<16xf32>,
      }
      %scan3A_87 = arith.constant 32 : i32
      %add3A_88 = arith.constant 1 : i32
      %add3A_89 = arith.addi %mul3A_65, %add3A_88 : i32
      %add3A_90 = arith.constant 4 : i32
      %add3A_91 = arith.addi %add3A_89, %add3A_90 : i32
      %sub3A_92 = arith.constant 1 : i32
      %sub3A_93 = arith.subi %add3A_91, %sub3A_92 : i32
      %lt3A_94 = arith.constant 20 : i32
      %lt3A_95 = arith.cmpi slt, %sub3A_93, %lt3A_94 : i32
      %convert_element_type3A_96 = arith.extui %lt3A_95 : i1 to i32
      %cond3A_97 = arith.constant 0 : i32
      %cond3A_98 = arith.cmpi ne, %convert_element_type3A_96, %cond3A_97 : i32
      scf.if %cond3A_98 {
        %add3A_163 = arith.constant 4 : i32
        %add3A_164 = arith.addi %add3A_89, %add3A_163 : i32
        %sub3A_165 = arith.constant 1 : i32
        %sub3A_166 = arith.subi %add3A_164, %sub3A_165 : i32
        %add3A_167 = arith.addi %mul3A_2, %sub3A_166 : i32
        %mul3A_168 = arith.constant 4096 : i32
        %mul3A_169 = arith.muli %add3A_167, %mul3A_168 : i32
        %dma_start3A_170 = tpu.memref_slice %arg2[%mul3A_169] : memref<2621440xi32, #tpu.memory_space<hbm>> -> memref<4096xi32, #tpu.memory_space<hbm>>
        %dma_start3A_171 = tpu.memref_slice %arg2[%mul3A_169] : memref<2621440xi32, #tpu.memory_space<hbm>> -> memref<4096xi32, #tpu.memory_space<hbm>>
        tpu.enqueue_dma source(%dma_start3A_171 : memref<4096xi32, #tpu.memory_space<hbm>>) target(%arg10 : memref<4096xi32, #tpu.memory_space<vmem>>) target_semaphore(%arg18 : memref<!tpu.dma_semaphore, #tpu.memory_space<semaphore_mem>>)
        %add3A_172 = arith.addi %mul3A_2, %sub3A_166 : i32
        %mul3A_173 = arith.constant 4096 : i32
        %mul3A_174 = arith.muli %add3A_172, %mul3A_173 : i32
        %dma_start3A_175 = tpu.memref_slice %arg3[%mul3A_174] : memref<2621440xf32, #tpu.memory_space<hbm>> -> memref<4096xf32, #tpu.memory_space<hbm>>
        %dma_start3A_176 = tpu.memref_slice %arg3[%mul3A_174] : memref<2621440xf32, #tpu.memory_space<hbm>> -> memref<4096xf32, #tpu.memory_space<hbm>>
        tpu.enqueue_dma source(%dma_start3A_176 : memref<4096xf32, #tpu.memory_space<hbm>>) target(%arg14 : memref<4096xf32, #tpu.memory_space<vmem>>) target_semaphore(%arg18 : memref<!tpu.dma_semaphore, #tpu.memory_space<semaphore_mem>>)
      } else {
      }
      %dma_wait3A_99 = arith.constant 0 : i32
      %dma_wait3A_100 = tpu.memref_slice %arg2[%dma_wait3A_99] : memref<2621440xi32, #tpu.memory_space<hbm>> -> memref<4096xi32, #tpu.memory_space<hbm>>
      %dma_wait3A_101 = arith.constant 0 : i32
      %dma_wait3A_102 = tpu.memref_slice %arg2[%dma_wait3A_101] : memref<2621440xi32, #tpu.memory_space<hbm>> -> memref<4096xi32, #tpu.memory_space<hbm>>
      tpu.wait_dma2 semaphore(%arg19 : memref<!tpu.dma_semaphore, #tpu.memory_space<semaphore_mem>>) src(%dma_wait3A_102 : memref<4096xi32, #tpu.memory_space<hbm>>) dst(%arg11 : memref<4096xi32, #tpu.memory_space<vmem>>)
      %dma_wait3A_103 = arith.constant 0 : i32
      %dma_wait3A_104 = tpu.memref_slice %arg3[%dma_wait3A_103] : memref<2621440xf32, #tpu.memory_space<hbm>> -> memref<4096xf32, #tpu.memory_space<hbm>>
      %dma_wait3A_105 = arith.constant 0 : i32
      %dma_wait3A_106 = tpu.memref_slice %arg3[%dma_wait3A_105] : memref<2621440xf32, #tpu.memory_space<hbm>> -> memref<4096xf32, #tpu.memory_space<hbm>>
      tpu.wait_dma2 semaphore(%arg19 : memref<!tpu.dma_semaphore, #tpu.memory_space<semaphore_mem>>) src(%dma_wait3A_106 : memref<4096xf32, #tpu.memory_space<hbm>>) dst(%arg15 : memref<4096xf32, #tpu.memory_space<vmem>>)
      %scan3A_107 = arith.constant 0 : i32
      %scan3A_108 = arith.constant 0 : i32
      %scan3A_109 = arith.constant 32 : i32
      %scan3A_110 = arith.addi %scan3A_108, %scan3A_109 : i32
      %scan3A_111 = arith.constant 1 : i32
      scf.for %scan3A_163 = %scan3A_108 to %scan3A_110 step %scan3A_111  : i32 {
        %mul3A_164 = arith.constant 128 : i32
        %mul3A_165 = arith.muli %scan3A_163, %mul3A_164 : i32
        %add3A_166 = arith.constant 0 : i32
        %add3A_167 = arith.addi %mul3A_165, %add3A_166 : i32
        %get3A = arith.index_cast %add3A_167 : i32 to index
        %get3A_168 = tpu.vector_load %arg11[%get3A] {strides = array<i32>} : memref<4096xi32, #tpu.memory_space<vmem>>, vector<16xi32>,
        %add3A_169 = arith.constant 16 : i32
        %add3A_170 = arith.addi %mul3A_165, %add3A_169 : i32
        %get3A_171 = arith.index_cast %add3A_170 : i32 to index
        %get3A_172 = tpu.vector_load %arg11[%get3A_171] {strides = array<i32>} : memref<4096xi32, #tpu.memory_space<vmem>>, vector<16xi32>,
        %add3A_173 = arith.constant 32 : i32
        %add3A_174 = arith.addi %mul3A_165, %add3A_173 : i32
        %get3A_175 = arith.index_cast %add3A_174 : i32 to index
        %get3A_176 = tpu.vector_load %arg11[%get3A_175] {strides = array<i32>} : memref<4096xi32, #tpu.memory_space<vmem>>, vector<16xi32>,
        %add3A_177 = arith.constant 48 : i32
        %add3A_178 = arith.addi %mul3A_165, %add3A_177 : i32
        %get3A_179 = arith.index_cast %add3A_178 : i32 to index
        %get3A_180 = tpu.vector_load %arg11[%get3A_179] {strides = array<i32>} : memref<4096xi32, #tpu.memory_space<vmem>>, vector<16xi32>,
        %add3A_181 = arith.constant 64 : i32
        %add3A_182 = arith.addi %mul3A_165, %add3A_181 : i32
        %get3A_183 = arith.index_cast %add3A_182 : i32 to index
        %get3A_184 = tpu.vector_load %arg11[%get3A_183] {strides = array<i32>} : memref<4096xi32, #tpu.memory_space<vmem>>, vector<16xi32>,
        %add3A_185 = arith.constant 80 : i32
        %add3A_186 = arith.addi %mul3A_165, %add3A_185 : i32
        %get3A_187 = arith.index_cast %add3A_186 : i32 to index
        %get3A_188 = tpu.vector_load %arg11[%get3A_187] {strides = array<i32>} : memref<4096xi32, #tpu.memory_space<vmem>>, vector<16xi32>,
        %add3A_189 = arith.constant 96 : i32
        %add3A_190 = arith.addi %mul3A_165, %add3A_189 : i32
        %get3A_191 = arith.index_cast %add3A_190 : i32 to index
        %get3A_192 = tpu.vector_load %arg11[%get3A_191] {strides = array<i32>} : memref<4096xi32, #tpu.memory_space<vmem>>, vector<16xi32>,
        %add3A_193 = arith.constant 112 : i32
        %add3A_194 = arith.addi %mul3A_165, %add3A_193 : i32
        %get3A_195 = arith.index_cast %add3A_194 : i32 to index
        %get3A_196 = tpu.vector_load %arg11[%get3A_195] {strides = array<i32>} : memref<4096xi32, #tpu.memory_space<vmem>>, vector<16xi32>,
        %add3A_197 = arith.constant 0 : i32
        %add3A_198 = arith.addi %mul3A_165, %add3A_197 : i32
        %get3A_199 = arith.index_cast %add3A_198 : i32 to index
        %get3A_200 = tpu.vector_load %arg15[%get3A_199] {strides = array<i32>} : memref<4096xf32, #tpu.memory_space<vmem>>, vector<16xf32>,
        %add3A_201 = arith.constant 16 : i32
        %add3A_202 = arith.addi %mul3A_165, %add3A_201 : i32
        %get3A_203 = arith.index_cast %add3A_202 : i32 to index
        %get3A_204 = tpu.vector_load %arg15[%get3A_203] {strides = array<i32>} : memref<4096xf32, #tpu.memory_space<vmem>>, vector<16xf32>,
        %add3A_205 = arith.constant 32 : i32
        %add3A_206 = arith.addi %mul3A_165, %add3A_205 : i32
        %get3A_207 = arith.index_cast %add3A_206 : i32 to index
        %get3A_208 = tpu.vector_load %arg15[%get3A_207] {strides = array<i32>} : memref<4096xf32, #tpu.memory_space<vmem>>, vector<16xf32>,
        %add3A_209 = arith.constant 48 : i32
        %add3A_210 = arith.addi %mul3A_165, %add3A_209 : i32
        %get3A_211 = arith.index_cast %add3A_210 : i32 to index
        %get3A_212 = tpu.vector_load %arg15[%get3A_211] {strides = array<i32>} : memref<4096xf32, #tpu.memory_space<vmem>>, vector<16xf32>,
        %add3A_213 = arith.constant 64 : i32
        %add3A_214 = arith.addi %mul3A_165, %add3A_213 : i32
        %get3A_215 = arith.index_cast %add3A_214 : i32 to index
        %get3A_216 = tpu.vector_load %arg15[%get3A_215] {strides = array<i32>} : memref<4096xf32, #tpu.memory_space<vmem>>, vector<16xf32>,
        %add3A_217 = arith.constant 80 : i32
        %add3A_218 = arith.addi %mul3A_165, %add3A_217 : i32
        %get3A_219 = arith.index_cast %add3A_218 : i32 to index
        %get3A_220 = tpu.vector_load %arg15[%get3A_219] {strides = array<i32>} : memref<4096xf32, #tpu.memory_space<vmem>>, vector<16xf32>,
        %add3A_221 = arith.constant 96 : i32
        %add3A_222 = arith.addi %mul3A_165, %add3A_221 : i32
        %get3A_223 = arith.index_cast %add3A_222 : i32 to index
        %get3A_224 = tpu.vector_load %arg15[%get3A_223] {strides = array<i32>} : memref<4096xf32, #tpu.memory_space<vmem>>, vector<16xf32>,
        %add3A_225 = arith.constant 112 : i32
        %add3A_226 = arith.addi %mul3A_165, %add3A_225 : i32
        %get3A_227 = arith.index_cast %add3A_226 : i32 to index
        %get3A_228 = tpu.vector_load %arg15[%get3A_227] {strides = array<i32>} : memref<4096xf32, #tpu.memory_space<vmem>>, vector<16xf32>,
        %and3A = arith.constant 16383 : i32
        %and3A_229 = vector.broadcast %and3A : i32 to vector<16xi32>
        %and3A_230 = arith.andi %get3A_168, %and3A_229 : vector<16xi32>
        %and3A_231 = arith.constant 16383 : i32
        %and3A_232 = vector.broadcast %and3A_231 : i32 to vector<16xi32>
        %and3A_233 = arith.andi %get3A_172, %and3A_232 : vector<16xi32>
        %and3A_234 = arith.constant 16383 : i32
        %and3A_235 = vector.broadcast %and3A_234 : i32 to vector<16xi32>
        %and3A_236 = arith.andi %get3A_176, %and3A_235 : vector<16xi32>
        %and3A_237 = arith.constant 16383 : i32
        %and3A_238 = vector.broadcast %and3A_237 : i32 to vector<16xi32>
        %and3A_239 = arith.andi %get3A_180, %and3A_238 : vector<16xi32>
        %and3A_240 = arith.constant 16383 : i32
        %and3A_241 = vector.broadcast %and3A_240 : i32 to vector<16xi32>
        %and3A_242 = arith.andi %get3A_184, %and3A_241 : vector<16xi32>
        %and3A_243 = arith.constant 16383 : i32
        %and3A_244 = vector.broadcast %and3A_243 : i32 to vector<16xi32>
        %and3A_245 = arith.andi %get3A_188, %and3A_244 : vector<16xi32>
        %and3A_246 = arith.constant 16383 : i32
        %and3A_247 = vector.broadcast %and3A_246 : i32 to vector<16xi32>
        %and3A_248 = arith.andi %get3A_192, %and3A_247 : vector<16xi32>
        %and3A_249 = arith.constant 16383 : i32
        %and3A_250 = vector.broadcast %and3A_249 : i32 to vector<16xi32>
        %and3A_251 = arith.andi %get3A_196, %and3A_250 : vector<16xi32>
        %shift_right_logical3A = arith.constant 14 : i32
        %shift_right_logical3A_252 = vector.broadcast %shift_right_logical3A : i32 to vector<16xi32>
        %shift_right_logical3A_253 = arith.shrui %get3A_168, %shift_right_logical3A_252 : vector<16xi32>
        %shift_right_logical3A_254 = arith.constant 14 : i32
        %shift_right_logical3A_255 = vector.broadcast %shift_right_logical3A_254 : i32 to vector<16xi32>
        %shift_right_logical3A_256 = arith.shrui %get3A_172, %shift_right_logical3A_255 : vector<16xi32>
        %shift_right_logical3A_257 = arith.constant 14 : i32
        %shift_right_logical3A_258 = vector.broadcast %shift_right_logical3A_257 : i32 to vector<16xi32>
        %shift_right_logical3A_259 = arith.shrui %get3A_176, %shift_right_logical3A_258 : vector<16xi32>
        %shift_right_logical3A_260 = arith.constant 14 : i32
        %shift_right_logical3A_261 = vector.broadcast %shift_right_logical3A_260 : i32 to vector<16xi32>
        %shift_right_logical3A_262 = arith.shrui %get3A_180, %shift_right_logical3A_261 : vector<16xi32>
        %shift_right_logical3A_263 = arith.constant 14 : i32
        %shift_right_logical3A_264 = vector.broadcast %shift_right_logical3A_263 : i32 to vector<16xi32>
        %shift_right_logical3A_265 = arith.shrui %get3A_184, %shift_right_logical3A_264 : vector<16xi32>
        %shift_right_logical3A_266 = arith.constant 14 : i32
        %shift_right_logical3A_267 = vector.broadcast %shift_right_logical3A_266 : i32 to vector<16xi32>
        %shift_right_logical3A_268 = arith.shrui %get3A_188, %shift_right_logical3A_267 : vector<16xi32>
        %shift_right_logical3A_269 = arith.constant 14 : i32
        %shift_right_logical3A_270 = vector.broadcast %shift_right_logical3A_269 : i32 to vector<16xi32>
        %shift_right_logical3A_271 = arith.shrui %get3A_192, %shift_right_logical3A_270 : vector<16xi32>
        %shift_right_logical3A_272 = arith.constant 14 : i32
        %shift_right_logical3A_273 = vector.broadcast %shift_right_logical3A_272 : i32 to vector<16xi32>
        %shift_right_logical3A_274 = arith.shrui %get3A_196, %shift_right_logical3A_273 : vector<16xi32>
        %gather3A = tpu.vector_load_idx %arg8[%shift_right_logical3A_253] : memref<16384xf32, #tpu.memory_space<vmem>>[vector<16xi32>], vector<16xf32>,
        %gather3A_275 = tpu.vector_load_idx %arg8[%shift_right_logical3A_256] : memref<16384xf32, #tpu.memory_space<vmem>>[vector<16xi32>], vector<16xf32>,
        %gather3A_276 = tpu.vector_load_idx %arg8[%shift_right_logical3A_259] : memref<16384xf32, #tpu.memory_space<vmem>>[vector<16xi32>], vector<16xf32>,
        %gather3A_277 = tpu.vector_load_idx %arg8[%shift_right_logical3A_262] : memref<16384xf32, #tpu.memory_space<vmem>>[vector<16xi32>], vector<16xf32>,
        %gather3A_278 = tpu.vector_load_idx %arg8[%shift_right_logical3A_265] : memref<16384xf32, #tpu.memory_space<vmem>>[vector<16xi32>], vector<16xf32>,
        %gather3A_279 = tpu.vector_load_idx %arg8[%shift_right_logical3A_268] : memref<16384xf32, #tpu.memory_space<vmem>>[vector<16xi32>], vector<16xf32>,
        %gather3A_280 = tpu.vector_load_idx %arg8[%shift_right_logical3A_271] : memref<16384xf32, #tpu.memory_space<vmem>>[vector<16xi32>], vector<16xf32>,
        %gather3A_281 = tpu.vector_load_idx %arg8[%shift_right_logical3A_274] : memref<16384xf32, #tpu.memory_space<vmem>>[vector<16xi32>], vector<16xf32>,
        %gather3A_282 = tpu.vector_load_idx %arg8[%and3A_230] : memref<16384xf32, #tpu.memory_space<vmem>>[vector<16xi32>], vector<16xf32>,
        %gather3A_283 = tpu.vector_load_idx %arg8[%and3A_233] : memref<16384xf32, #tpu.memory_space<vmem>>[vector<16xi32>], vector<16xf32>,
        %gather3A_284 = tpu.vector_load_idx %arg8[%and3A_236] : memref<16384xf32, #tpu.memory_space<vmem>>[vector<16xi32>], vector<16xf32>,
        %gather3A_285 = tpu.vector_load_idx %arg8[%and3A_239] : memref<16384xf32, #tpu.memory_space<vmem>>[vector<16xi32>], vector<16xf32>,
        %gather3A_286 = tpu.vector_load_idx %arg8[%and3A_242] : memref<16384xf32, #tpu.memory_space<vmem>>[vector<16xi32>], vector<16xf32>,
        %gather3A_287 = tpu.vector_load_idx %arg8[%and3A_245] : memref<16384xf32, #tpu.memory_space<vmem>>[vector<16xi32>], vector<16xf32>,
        %gather3A_288 = tpu.vector_load_idx %arg8[%and3A_248] : memref<16384xf32, #tpu.memory_space<vmem>>[vector<16xi32>], vector<16xf32>,
        %gather3A_289 = tpu.vector_load_idx %arg8[%and3A_251] : memref<16384xf32, #tpu.memory_space<vmem>>[vector<16xi32>], vector<16xf32>,
        %mul3A_290 = arith.mulf %get3A_200, %gather3A : vector<16xf32>
        tpu.vector_store_idx %arg9[%and3A_230], %mul3A_290 {add = true} : memref<16384xf32, #tpu.memory_space<vmem>>[vector<16xi32>], vector<16xf32>,
        %mul3A_291 = arith.mulf %get3A_204, %gather3A_275 : vector<16xf32>
        tpu.vector_store_idx %arg9[%and3A_233], %mul3A_291 {add = true} : memref<16384xf32, #tpu.memory_space<vmem>>[vector<16xi32>], vector<16xf32>,
        %mul3A_292 = arith.mulf %get3A_208, %gather3A_276 : vector<16xf32>
        tpu.vector_store_idx %arg9[%and3A_236], %mul3A_292 {add = true} : memref<16384xf32, #tpu.memory_space<vmem>>[vector<16xi32>], vector<16xf32>,
        %mul3A_293 = arith.mulf %get3A_212, %gather3A_277 : vector<16xf32>
        tpu.vector_store_idx %arg9[%and3A_239], %mul3A_293 {add = true} : memref<16384xf32, #tpu.memory_space<vmem>>[vector<16xi32>], vector<16xf32>,
        %mul3A_294 = arith.mulf %get3A_216, %gather3A_278 : vector<16xf32>
        tpu.vector_store_idx %arg9[%and3A_242], %mul3A_294 {add = true} : memref<16384xf32, #tpu.memory_space<vmem>>[vector<16xi32>], vector<16xf32>,
        %mul3A_295 = arith.mulf %get3A_220, %gather3A_279 : vector<16xf32>
        tpu.vector_store_idx %arg9[%and3A_245], %mul3A_295 {add = true} : memref<16384xf32, #tpu.memory_space<vmem>>[vector<16xi32>], vector<16xf32>,
        %mul3A_296 = arith.mulf %get3A_224, %gather3A_280 : vector<16xf32>
        tpu.vector_store_idx %arg9[%and3A_248], %mul3A_296 {add = true} : memref<16384xf32, #tpu.memory_space<vmem>>[vector<16xi32>], vector<16xf32>,
        %mul3A_297 = arith.mulf %get3A_228, %gather3A_281 : vector<16xf32>
        tpu.vector_store_idx %arg9[%and3A_251], %mul3A_297 {add = true} : memref<16384xf32, #tpu.memory_space<vmem>>[vector<16xi32>], vector<16xf32>,
        %mul3A_298 = arith.mulf %get3A_200, %gather3A_282 : vector<16xf32>
        tpu.vector_store_idx %arg9[%shift_right_logical3A_253], %mul3A_298 {add = true} : memref<16384xf32, #tpu.memory_space<vmem>>[vector<16xi32>], vector<16xf32>,
        %mul3A_299 = arith.mulf %get3A_204, %gather3A_283 : vector<16xf32>
        tpu.vector_store_idx %arg9[%shift_right_logical3A_256], %mul3A_299 {add = true} : memref<16384xf32, #tpu.memory_space<vmem>>[vector<16xi32>], vector<16xf32>,
        %mul3A_300 = arith.mulf %get3A_208, %gather3A_284 : vector<16xf32>
        tpu.vector_store_idx %arg9[%shift_right_logical3A_259], %mul3A_300 {add = true} : memref<16384xf32, #tpu.memory_space<vmem>>[vector<16xi32>], vector<16xf32>,
        %mul3A_301 = arith.mulf %get3A_212, %gather3A_285 : vector<16xf32>
        tpu.vector_store_idx %arg9[%shift_right_logical3A_262], %mul3A_301 {add = true} : memref<16384xf32, #tpu.memory_space<vmem>>[vector<16xi32>], vector<16xf32>,
        %mul3A_302 = arith.mulf %get3A_216, %gather3A_286 : vector<16xf32>
        tpu.vector_store_idx %arg9[%shift_right_logical3A_265], %mul3A_302 {add = true} : memref<16384xf32, #tpu.memory_space<vmem>>[vector<16xi32>], vector<16xf32>,
        %mul3A_303 = arith.mulf %get3A_220, %gather3A_287 : vector<16xf32>
        tpu.vector_store_idx %arg9[%shift_right_logical3A_268], %mul3A_303 {add = true} : memref<16384xf32, #tpu.memory_space<vmem>>[vector<16xi32>], vector<16xf32>,
        %mul3A_304 = arith.mulf %get3A_224, %gather3A_288 : vector<16xf32>
        tpu.vector_store_idx %arg9[%shift_right_logical3A_271], %mul3A_304 {add = true} : memref<16384xf32, #tpu.memory_space<vmem>>[vector<16xi32>], vector<16xf32>,
        %mul3A_305 = arith.mulf %get3A_228, %gather3A_289 : vector<16xf32>
        tpu.vector_store_idx %arg9[%shift_right_logical3A_274], %mul3A_305 {add = true} : memref<16384xf32, #tpu.memory_space<vmem>>[vector<16xi32>], vector<16xf32>,
      }
      %scan3A_112 = arith.constant 32 : i32
      %add3A_113 = arith.constant 2 : i32
      %add3A_114 = arith.addi %mul3A_65, %add3A_113 : i32
      %add3A_115 = arith.constant 4 : i32
      %add3A_116 = arith.addi %add3A_114, %add3A_115 : i32
      %sub3A_117 = arith.constant 1 : i32
      %sub3A_118 = arith.subi %add3A_116, %sub3A_117 : i32
      %lt3A_119 = arith.constant 20 : i32
      %lt3A_120 = arith.cmpi slt, %sub3A_118, %lt3A_119 : i32
      %convert_element_type3A_121 = arith.extui %lt3A_120 : i1 to i32
      %cond3A_122 = arith.constant 0 : i32
      %cond3A_123 = arith.cmpi ne, %convert_element_type3A_121, %cond3A_122 : i32
      scf.if %cond3A_123 {
        %add3A_163 = arith.constant 4 : i32
        %add3A_164 = arith.addi %add3A_114, %add3A_163 : i32
        %sub3A_165 = arith.constant 1 : i32
        %sub3A_166 = arith.subi %add3A_164, %sub3A_165 : i32
        %add3A_167 = arith.addi %mul3A_2, %sub3A_166 : i32
        %mul3A_168 = arith.constant 4096 : i32
        %mul3A_169 = arith.muli %add3A_167, %mul3A_168 : i32
        %dma_start3A_170 = tpu.memref_slice %arg2[%mul3A_169] : memref<2621440xi32, #tpu.memory_space<hbm>> -> memref<4096xi32, #tpu.memory_space<hbm>>
        %dma_start3A_171 = tpu.memref_slice %arg2[%mul3A_169] : memref<2621440xi32, #tpu.memory_space<hbm>> -> memref<4096xi32, #tpu.memory_space<hbm>>
        tpu.enqueue_dma source(%dma_start3A_171 : memref<4096xi32, #tpu.memory_space<hbm>>) target(%arg11 : memref<4096xi32, #tpu.memory_space<vmem>>) target_semaphore(%arg19 : memref<!tpu.dma_semaphore, #tpu.memory_space<semaphore_mem>>)
        %add3A_172 = arith.addi %mul3A_2, %sub3A_166 : i32
        %mul3A_173 = arith.constant 4096 : i32
        %mul3A_174 = arith.muli %add3A_172, %mul3A_173 : i32
        %dma_start3A_175 = tpu.memref_slice %arg3[%mul3A_174] : memref<2621440xf32, #tpu.memory_space<hbm>> -> memref<4096xf32, #tpu.memory_space<hbm>>
        %dma_start3A_176 = tpu.memref_slice %arg3[%mul3A_174] : memref<2621440xf32, #tpu.memory_space<hbm>> -> memref<4096xf32, #tpu.memory_space<hbm>>
        tpu.enqueue_dma source(%dma_start3A_176 : memref<4096xf32, #tpu.memory_space<hbm>>) target(%arg15 : memref<4096xf32, #tpu.memory_space<vmem>>) target_semaphore(%arg19 : memref<!tpu.dma_semaphore, #tpu.memory_space<semaphore_mem>>)
      } else {
      }
      %dma_wait3A_124 = arith.constant 0 : i32
      %dma_wait3A_125 = tpu.memref_slice %arg2[%dma_wait3A_124] : memref<2621440xi32, #tpu.memory_space<hbm>> -> memref<4096xi32, #tpu.memory_space<hbm>>
      %dma_wait3A_126 = arith.constant 0 : i32
      %dma_wait3A_127 = tpu.memref_slice %arg2[%dma_wait3A_126] : memref<2621440xi32, #tpu.memory_space<hbm>> -> memref<4096xi32, #tpu.memory_space<hbm>>
      tpu.wait_dma2 semaphore(%arg20 : memref<!tpu.dma_semaphore, #tpu.memory_space<semaphore_mem>>) src(%dma_wait3A_127 : memref<4096xi32, #tpu.memory_space<hbm>>) dst(%arg12 : memref<4096xi32, #tpu.memory_space<vmem>>)
      %dma_wait3A_128 = arith.constant 0 : i32
      %dma_wait3A_129 = tpu.memref_slice %arg3[%dma_wait3A_128] : memref<2621440xf32, #tpu.memory_space<hbm>> -> memref<4096xf32, #tpu.memory_space<hbm>>
      %dma_wait3A_130 = arith.constant 0 : i32
      %dma_wait3A_131 = tpu.memref_slice %arg3[%dma_wait3A_130] : memref<2621440xf32, #tpu.memory_space<hbm>> -> memref<4096xf32, #tpu.memory_space<hbm>>
      tpu.wait_dma2 semaphore(%arg20 : memref<!tpu.dma_semaphore, #tpu.memory_space<semaphore_mem>>) src(%dma_wait3A_131 : memref<4096xf32, #tpu.memory_space<hbm>>) dst(%arg16 : memref<4096xf32, #tpu.memory_space<vmem>>)
      %scan3A_132 = arith.constant 0 : i32
      %scan3A_133 = arith.constant 0 : i32
      %scan3A_134 = arith.constant 32 : i32
      %scan3A_135 = arith.addi %scan3A_133, %scan3A_134 : i32
      %scan3A_136 = arith.constant 1 : i32
      scf.for %scan3A_163 = %scan3A_133 to %scan3A_135 step %scan3A_136  : i32 {
        %mul3A_164 = arith.constant 128 : i32
        %mul3A_165 = arith.muli %scan3A_163, %mul3A_164 : i32
        %add3A_166 = arith.constant 0 : i32
        %add3A_167 = arith.addi %mul3A_165, %add3A_166 : i32
        %get3A = arith.index_cast %add3A_167 : i32 to index
        %get3A_168 = tpu.vector_load %arg12[%get3A] {strides = array<i32>} : memref<4096xi32, #tpu.memory_space<vmem>>, vector<16xi32>,
        %add3A_169 = arith.constant 16 : i32
        %add3A_170 = arith.addi %mul3A_165, %add3A_169 : i32
        %get3A_171 = arith.index_cast %add3A_170 : i32 to index
        %get3A_172 = tpu.vector_load %arg12[%get3A_171] {strides = array<i32>} : memref<4096xi32, #tpu.memory_space<vmem>>, vector<16xi32>,
        %add3A_173 = arith.constant 32 : i32
        %add3A_174 = arith.addi %mul3A_165, %add3A_173 : i32
        %get3A_175 = arith.index_cast %add3A_174 : i32 to index
        %get3A_176 = tpu.vector_load %arg12[%get3A_175] {strides = array<i32>} : memref<4096xi32, #tpu.memory_space<vmem>>, vector<16xi32>,
        %add3A_177 = arith.constant 48 : i32
        %add3A_178 = arith.addi %mul3A_165, %add3A_177 : i32
        %get3A_179 = arith.index_cast %add3A_178 : i32 to index
        %get3A_180 = tpu.vector_load %arg12[%get3A_179] {strides = array<i32>} : memref<4096xi32, #tpu.memory_space<vmem>>, vector<16xi32>,
        %add3A_181 = arith.constant 64 : i32
        %add3A_182 = arith.addi %mul3A_165, %add3A_181 : i32
        %get3A_183 = arith.index_cast %add3A_182 : i32 to index
        %get3A_184 = tpu.vector_load %arg12[%get3A_183] {strides = array<i32>} : memref<4096xi32, #tpu.memory_space<vmem>>, vector<16xi32>,
        %add3A_185 = arith.constant 80 : i32
        %add3A_186 = arith.addi %mul3A_165, %add3A_185 : i32
        %get3A_187 = arith.index_cast %add3A_186 : i32 to index
        %get3A_188 = tpu.vector_load %arg12[%get3A_187] {strides = array<i32>} : memref<4096xi32, #tpu.memory_space<vmem>>, vector<16xi32>,
        %add3A_189 = arith.constant 96 : i32
        %add3A_190 = arith.addi %mul3A_165, %add3A_189 : i32
        %get3A_191 = arith.index_cast %add3A_190 : i32 to index
        %get3A_192 = tpu.vector_load %arg12[%get3A_191] {strides = array<i32>} : memref<4096xi32, #tpu.memory_space<vmem>>, vector<16xi32>,
        %add3A_193 = arith.constant 112 : i32
        %add3A_194 = arith.addi %mul3A_165, %add3A_193 : i32
        %get3A_195 = arith.index_cast %add3A_194 : i32 to index
        %get3A_196 = tpu.vector_load %arg12[%get3A_195] {strides = array<i32>} : memref<4096xi32, #tpu.memory_space<vmem>>, vector<16xi32>,
        %add3A_197 = arith.constant 0 : i32
        %add3A_198 = arith.addi %mul3A_165, %add3A_197 : i32
        %get3A_199 = arith.index_cast %add3A_198 : i32 to index
        %get3A_200 = tpu.vector_load %arg16[%get3A_199] {strides = array<i32>} : memref<4096xf32, #tpu.memory_space<vmem>>, vector<16xf32>,
        %add3A_201 = arith.constant 16 : i32
        %add3A_202 = arith.addi %mul3A_165, %add3A_201 : i32
        %get3A_203 = arith.index_cast %add3A_202 : i32 to index
        %get3A_204 = tpu.vector_load %arg16[%get3A_203] {strides = array<i32>} : memref<4096xf32, #tpu.memory_space<vmem>>, vector<16xf32>,
        %add3A_205 = arith.constant 32 : i32
        %add3A_206 = arith.addi %mul3A_165, %add3A_205 : i32
        %get3A_207 = arith.index_cast %add3A_206 : i32 to index
        %get3A_208 = tpu.vector_load %arg16[%get3A_207] {strides = array<i32>} : memref<4096xf32, #tpu.memory_space<vmem>>, vector<16xf32>,
        %add3A_209 = arith.constant 48 : i32
        %add3A_210 = arith.addi %mul3A_165, %add3A_209 : i32
        %get3A_211 = arith.index_cast %add3A_210 : i32 to index
        %get3A_212 = tpu.vector_load %arg16[%get3A_211] {strides = array<i32>} : memref<4096xf32, #tpu.memory_space<vmem>>, vector<16xf32>,
        %add3A_213 = arith.constant 64 : i32
        %add3A_214 = arith.addi %mul3A_165, %add3A_213 : i32
        %get3A_215 = arith.index_cast %add3A_214 : i32 to index
        %get3A_216 = tpu.vector_load %arg16[%get3A_215] {strides = array<i32>} : memref<4096xf32, #tpu.memory_space<vmem>>, vector<16xf32>,
        %add3A_217 = arith.constant 80 : i32
        %add3A_218 = arith.addi %mul3A_165, %add3A_217 : i32
        %get3A_219 = arith.index_cast %add3A_218 : i32 to index
        %get3A_220 = tpu.vector_load %arg16[%get3A_219] {strides = array<i32>} : memref<4096xf32, #tpu.memory_space<vmem>>, vector<16xf32>,
        %add3A_221 = arith.constant 96 : i32
        %add3A_222 = arith.addi %mul3A_165, %add3A_221 : i32
        %get3A_223 = arith.index_cast %add3A_222 : i32 to index
        %get3A_224 = tpu.vector_load %arg16[%get3A_223] {strides = array<i32>} : memref<4096xf32, #tpu.memory_space<vmem>>, vector<16xf32>,
        %add3A_225 = arith.constant 112 : i32
        %add3A_226 = arith.addi %mul3A_165, %add3A_225 : i32
        %get3A_227 = arith.index_cast %add3A_226 : i32 to index
        %get3A_228 = tpu.vector_load %arg16[%get3A_227] {strides = array<i32>} : memref<4096xf32, #tpu.memory_space<vmem>>, vector<16xf32>,
        %and3A = arith.constant 16383 : i32
        %and3A_229 = vector.broadcast %and3A : i32 to vector<16xi32>
        %and3A_230 = arith.andi %get3A_168, %and3A_229 : vector<16xi32>
        %and3A_231 = arith.constant 16383 : i32
        %and3A_232 = vector.broadcast %and3A_231 : i32 to vector<16xi32>
        %and3A_233 = arith.andi %get3A_172, %and3A_232 : vector<16xi32>
        %and3A_234 = arith.constant 16383 : i32
        %and3A_235 = vector.broadcast %and3A_234 : i32 to vector<16xi32>
        %and3A_236 = arith.andi %get3A_176, %and3A_235 : vector<16xi32>
        %and3A_237 = arith.constant 16383 : i32
        %and3A_238 = vector.broadcast %and3A_237 : i32 to vector<16xi32>
        %and3A_239 = arith.andi %get3A_180, %and3A_238 : vector<16xi32>
        %and3A_240 = arith.constant 16383 : i32
        %and3A_241 = vector.broadcast %and3A_240 : i32 to vector<16xi32>
        %and3A_242 = arith.andi %get3A_184, %and3A_241 : vector<16xi32>
        %and3A_243 = arith.constant 16383 : i32
        %and3A_244 = vector.broadcast %and3A_243 : i32 to vector<16xi32>
        %and3A_245 = arith.andi %get3A_188, %and3A_244 : vector<16xi32>
        %and3A_246 = arith.constant 16383 : i32
        %and3A_247 = vector.broadcast %and3A_246 : i32 to vector<16xi32>
        %and3A_248 = arith.andi %get3A_192, %and3A_247 : vector<16xi32>
        %and3A_249 = arith.constant 16383 : i32
        %and3A_250 = vector.broadcast %and3A_249 : i32 to vector<16xi32>
        %and3A_251 = arith.andi %get3A_196, %and3A_250 : vector<16xi32>
        %shift_right_logical3A = arith.constant 14 : i32
        %shift_right_logical3A_252 = vector.broadcast %shift_right_logical3A : i32 to vector<16xi32>
        %shift_right_logical3A_253 = arith.shrui %get3A_168, %shift_right_logical3A_252 : vector<16xi32>
        %shift_right_logical3A_254 = arith.constant 14 : i32
        %shift_right_logical3A_255 = vector.broadcast %shift_right_logical3A_254 : i32 to vector<16xi32>
        %shift_right_logical3A_256 = arith.shrui %get3A_172, %shift_right_logical3A_255 : vector<16xi32>
        %shift_right_logical3A_257 = arith.constant 14 : i32
        %shift_right_logical3A_258 = vector.broadcast %shift_right_logical3A_257 : i32 to vector<16xi32>
        %shift_right_logical3A_259 = arith.shrui %get3A_176, %shift_right_logical3A_258 : vector<16xi32>
        %shift_right_logical3A_260 = arith.constant 14 : i32
        %shift_right_logical3A_261 = vector.broadcast %shift_right_logical3A_260 : i32 to vector<16xi32>
        %shift_right_logical3A_262 = arith.shrui %get3A_180, %shift_right_logical3A_261 : vector<16xi32>
        %shift_right_logical3A_263 = arith.constant 14 : i32
        %shift_right_logical3A_264 = vector.broadcast %shift_right_logical3A_263 : i32 to vector<16xi32>
        %shift_right_logical3A_265 = arith.shrui %get3A_184, %shift_right_logical3A_264 : vector<16xi32>
        %shift_right_logical3A_266 = arith.constant 14 : i32
        %shift_right_logical3A_267 = vector.broadcast %shift_right_logical3A_266 : i32 to vector<16xi32>
        %shift_right_logical3A_268 = arith.shrui %get3A_188, %shift_right_logical3A_267 : vector<16xi32>
        %shift_right_logical3A_269 = arith.constant 14 : i32
        %shift_right_logical3A_270 = vector.broadcast %shift_right_logical3A_269 : i32 to vector<16xi32>
        %shift_right_logical3A_271 = arith.shrui %get3A_192, %shift_right_logical3A_270 : vector<16xi32>
        %shift_right_logical3A_272 = arith.constant 14 : i32
        %shift_right_logical3A_273 = vector.broadcast %shift_right_logical3A_272 : i32 to vector<16xi32>
        %shift_right_logical3A_274 = arith.shrui %get3A_196, %shift_right_logical3A_273 : vector<16xi32>
        %gather3A = tpu.vector_load_idx %arg8[%shift_right_logical3A_253] : memref<16384xf32, #tpu.memory_space<vmem>>[vector<16xi32>], vector<16xf32>,
        %gather3A_275 = tpu.vector_load_idx %arg8[%shift_right_logical3A_256] : memref<16384xf32, #tpu.memory_space<vmem>>[vector<16xi32>], vector<16xf32>,
        %gather3A_276 = tpu.vector_load_idx %arg8[%shift_right_logical3A_259] : memref<16384xf32, #tpu.memory_space<vmem>>[vector<16xi32>], vector<16xf32>,
        %gather3A_277 = tpu.vector_load_idx %arg8[%shift_right_logical3A_262] : memref<16384xf32, #tpu.memory_space<vmem>>[vector<16xi32>], vector<16xf32>,
        %gather3A_278 = tpu.vector_load_idx %arg8[%shift_right_logical3A_265] : memref<16384xf32, #tpu.memory_space<vmem>>[vector<16xi32>], vector<16xf32>,
        %gather3A_279 = tpu.vector_load_idx %arg8[%shift_right_logical3A_268] : memref<16384xf32, #tpu.memory_space<vmem>>[vector<16xi32>], vector<16xf32>,
        %gather3A_280 = tpu.vector_load_idx %arg8[%shift_right_logical3A_271] : memref<16384xf32, #tpu.memory_space<vmem>>[vector<16xi32>], vector<16xf32>,
        %gather3A_281 = tpu.vector_load_idx %arg8[%shift_right_logical3A_274] : memref<16384xf32, #tpu.memory_space<vmem>>[vector<16xi32>], vector<16xf32>,
        %gather3A_282 = tpu.vector_load_idx %arg8[%and3A_230] : memref<16384xf32, #tpu.memory_space<vmem>>[vector<16xi32>], vector<16xf32>,
        %gather3A_283 = tpu.vector_load_idx %arg8[%and3A_233] : memref<16384xf32, #tpu.memory_space<vmem>>[vector<16xi32>], vector<16xf32>,
        %gather3A_284 = tpu.vector_load_idx %arg8[%and3A_236] : memref<16384xf32, #tpu.memory_space<vmem>>[vector<16xi32>], vector<16xf32>,
        %gather3A_285 = tpu.vector_load_idx %arg8[%and3A_239] : memref<16384xf32, #tpu.memory_space<vmem>>[vector<16xi32>], vector<16xf32>,
        %gather3A_286 = tpu.vector_load_idx %arg8[%and3A_242] : memref<16384xf32, #tpu.memory_space<vmem>>[vector<16xi32>], vector<16xf32>,
        %gather3A_287 = tpu.vector_load_idx %arg8[%and3A_245] : memref<16384xf32, #tpu.memory_space<vmem>>[vector<16xi32>], vector<16xf32>,
        %gather3A_288 = tpu.vector_load_idx %arg8[%and3A_248] : memref<16384xf32, #tpu.memory_space<vmem>>[vector<16xi32>], vector<16xf32>,
        %gather3A_289 = tpu.vector_load_idx %arg8[%and3A_251] : memref<16384xf32, #tpu.memory_space<vmem>>[vector<16xi32>], vector<16xf32>,
        %mul3A_290 = arith.mulf %get3A_200, %gather3A : vector<16xf32>
        tpu.vector_store_idx %arg9[%and3A_230], %mul3A_290 {add = true} : memref<16384xf32, #tpu.memory_space<vmem>>[vector<16xi32>], vector<16xf32>,
        %mul3A_291 = arith.mulf %get3A_204, %gather3A_275 : vector<16xf32>
        tpu.vector_store_idx %arg9[%and3A_233], %mul3A_291 {add = true} : memref<16384xf32, #tpu.memory_space<vmem>>[vector<16xi32>], vector<16xf32>,
        %mul3A_292 = arith.mulf %get3A_208, %gather3A_276 : vector<16xf32>
        tpu.vector_store_idx %arg9[%and3A_236], %mul3A_292 {add = true} : memref<16384xf32, #tpu.memory_space<vmem>>[vector<16xi32>], vector<16xf32>,
        %mul3A_293 = arith.mulf %get3A_212, %gather3A_277 : vector<16xf32>
        tpu.vector_store_idx %arg9[%and3A_239], %mul3A_293 {add = true} : memref<16384xf32, #tpu.memory_space<vmem>>[vector<16xi32>], vector<16xf32>,
        %mul3A_294 = arith.mulf %get3A_216, %gather3A_278 : vector<16xf32>
        tpu.vector_store_idx %arg9[%and3A_242], %mul3A_294 {add = true} : memref<16384xf32, #tpu.memory_space<vmem>>[vector<16xi32>], vector<16xf32>,
        %mul3A_295 = arith.mulf %get3A_220, %gather3A_279 : vector<16xf32>
        tpu.vector_store_idx %arg9[%and3A_245], %mul3A_295 {add = true} : memref<16384xf32, #tpu.memory_space<vmem>>[vector<16xi32>], vector<16xf32>,
        %mul3A_296 = arith.mulf %get3A_224, %gather3A_280 : vector<16xf32>
        tpu.vector_store_idx %arg9[%and3A_248], %mul3A_296 {add = true} : memref<16384xf32, #tpu.memory_space<vmem>>[vector<16xi32>], vector<16xf32>,
        %mul3A_297 = arith.mulf %get3A_228, %gather3A_281 : vector<16xf32>
        tpu.vector_store_idx %arg9[%and3A_251], %mul3A_297 {add = true} : memref<16384xf32, #tpu.memory_space<vmem>>[vector<16xi32>], vector<16xf32>,
        %mul3A_298 = arith.mulf %get3A_200, %gather3A_282 : vector<16xf32>
        tpu.vector_store_idx %arg9[%shift_right_logical3A_253], %mul3A_298 {add = true} : memref<16384xf32, #tpu.memory_space<vmem>>[vector<16xi32>], vector<16xf32>,
        %mul3A_299 = arith.mulf %get3A_204, %gather3A_283 : vector<16xf32>
        tpu.vector_store_idx %arg9[%shift_right_logical3A_256], %mul3A_299 {add = true} : memref<16384xf32, #tpu.memory_space<vmem>>[vector<16xi32>], vector<16xf32>,
        %mul3A_300 = arith.mulf %get3A_208, %gather3A_284 : vector<16xf32>
        tpu.vector_store_idx %arg9[%shift_right_logical3A_259], %mul3A_300 {add = true} : memref<16384xf32, #tpu.memory_space<vmem>>[vector<16xi32>], vector<16xf32>,
        %mul3A_301 = arith.mulf %get3A_212, %gather3A_285 : vector<16xf32>
        tpu.vector_store_idx %arg9[%shift_right_logical3A_262], %mul3A_301 {add = true} : memref<16384xf32, #tpu.memory_space<vmem>>[vector<16xi32>], vector<16xf32>,
        %mul3A_302 = arith.mulf %get3A_216, %gather3A_286 : vector<16xf32>
        tpu.vector_store_idx %arg9[%shift_right_logical3A_265], %mul3A_302 {add = true} : memref<16384xf32, #tpu.memory_space<vmem>>[vector<16xi32>], vector<16xf32>,
        %mul3A_303 = arith.mulf %get3A_220, %gather3A_287 : vector<16xf32>
        tpu.vector_store_idx %arg9[%shift_right_logical3A_268], %mul3A_303 {add = true} : memref<16384xf32, #tpu.memory_space<vmem>>[vector<16xi32>], vector<16xf32>,
        %mul3A_304 = arith.mulf %get3A_224, %gather3A_288 : vector<16xf32>
        tpu.vector_store_idx %arg9[%shift_right_logical3A_271], %mul3A_304 {add = true} : memref<16384xf32, #tpu.memory_space<vmem>>[vector<16xi32>], vector<16xf32>,
        %mul3A_305 = arith.mulf %get3A_228, %gather3A_289 : vector<16xf32>
        tpu.vector_store_idx %arg9[%shift_right_logical3A_274], %mul3A_305 {add = true} : memref<16384xf32, #tpu.memory_space<vmem>>[vector<16xi32>], vector<16xf32>,
      }
      %scan3A_137 = arith.constant 32 : i32
      %add3A_138 = arith.constant 3 : i32
      %add3A_139 = arith.addi %mul3A_65, %add3A_138 : i32
      %add3A_140 = arith.constant 4 : i32
      %add3A_141 = arith.addi %add3A_139, %add3A_140 : i32
      %sub3A_142 = arith.constant 1 : i32
      %sub3A_143 = arith.subi %add3A_141, %sub3A_142 : i32
      %lt3A_144 = arith.constant 20 : i32
      %lt3A_145 = arith.cmpi slt, %sub3A_143, %lt3A_144 : i32
      %convert_element_type3A_146 = arith.extui %lt3A_145 : i1 to i32
      %cond3A_147 = arith.constant 0 : i32
      %cond3A_148 = arith.cmpi ne, %convert_element_type3A_146, %cond3A_147 : i32
      scf.if %cond3A_148 {
        %add3A_163 = arith.constant 4 : i32
        %add3A_164 = arith.addi %add3A_139, %add3A_163 : i32
        %sub3A_165 = arith.constant 1 : i32
        %sub3A_166 = arith.subi %add3A_164, %sub3A_165 : i32
        %add3A_167 = arith.addi %mul3A_2, %sub3A_166 : i32
        %mul3A_168 = arith.constant 4096 : i32
        %mul3A_169 = arith.muli %add3A_167, %mul3A_168 : i32
        %dma_start3A_170 = tpu.memref_slice %arg2[%mul3A_169] : memref<2621440xi32, #tpu.memory_space<hbm>> -> memref<4096xi32, #tpu.memory_space<hbm>>
        %dma_start3A_171 = tpu.memref_slice %arg2[%mul3A_169] : memref<2621440xi32, #tpu.memory_space<hbm>> -> memref<4096xi32, #tpu.memory_space<hbm>>
        tpu.enqueue_dma source(%dma_start3A_171 : memref<4096xi32, #tpu.memory_space<hbm>>) target(%arg12 : memref<4096xi32, #tpu.memory_space<vmem>>) target_semaphore(%arg20 : memref<!tpu.dma_semaphore, #tpu.memory_space<semaphore_mem>>)
        %add3A_172 = arith.addi %mul3A_2, %sub3A_166 : i32
        %mul3A_173 = arith.constant 4096 : i32
        %mul3A_174 = arith.muli %add3A_172, %mul3A_173 : i32
        %dma_start3A_175 = tpu.memref_slice %arg3[%mul3A_174] : memref<2621440xf32, #tpu.memory_space<hbm>> -> memref<4096xf32, #tpu.memory_space<hbm>>
        %dma_start3A_176 = tpu.memref_slice %arg3[%mul3A_174] : memref<2621440xf32, #tpu.memory_space<hbm>> -> memref<4096xf32, #tpu.memory_space<hbm>>
        tpu.enqueue_dma source(%dma_start3A_176 : memref<4096xf32, #tpu.memory_space<hbm>>) target(%arg16 : memref<4096xf32, #tpu.memory_space<vmem>>) target_semaphore(%arg20 : memref<!tpu.dma_semaphore, #tpu.memory_space<semaphore_mem>>)
      } else {
      }
      %dma_wait3A_149 = arith.constant 0 : i32
      %dma_wait3A_150 = tpu.memref_slice %arg2[%dma_wait3A_149] : memref<2621440xi32, #tpu.memory_space<hbm>> -> memref<4096xi32, #tpu.memory_space<hbm>>
      %dma_wait3A_151 = arith.constant 0 : i32
      %dma_wait3A_152 = tpu.memref_slice %arg2[%dma_wait3A_151] : memref<2621440xi32, #tpu.memory_space<hbm>> -> memref<4096xi32, #tpu.memory_space<hbm>>
      tpu.wait_dma2 semaphore(%arg21 : memref<!tpu.dma_semaphore, #tpu.memory_space<semaphore_mem>>) src(%dma_wait3A_152 : memref<4096xi32, #tpu.memory_space<hbm>>) dst(%arg13 : memref<4096xi32, #tpu.memory_space<vmem>>)
      %dma_wait3A_153 = arith.constant 0 : i32
      %dma_wait3A_154 = tpu.memref_slice %arg3[%dma_wait3A_153] : memref<2621440xf32, #tpu.memory_space<hbm>> -> memref<4096xf32, #tpu.memory_space<hbm>>
      %dma_wait3A_155 = arith.constant 0 : i32
      %dma_wait3A_156 = tpu.memref_slice %arg3[%dma_wait3A_155] : memref<2621440xf32, #tpu.memory_space<hbm>> -> memref<4096xf32, #tpu.memory_space<hbm>>
      tpu.wait_dma2 semaphore(%arg21 : memref<!tpu.dma_semaphore, #tpu.memory_space<semaphore_mem>>) src(%dma_wait3A_156 : memref<4096xf32, #tpu.memory_space<hbm>>) dst(%arg17 : memref<4096xf32, #tpu.memory_space<vmem>>)
      %scan3A_157 = arith.constant 0 : i32
      %scan3A_158 = arith.constant 0 : i32
      %scan3A_159 = arith.constant 32 : i32
      %scan3A_160 = arith.addi %scan3A_158, %scan3A_159 : i32
      %scan3A_161 = arith.constant 1 : i32
      scf.for %scan3A_163 = %scan3A_158 to %scan3A_160 step %scan3A_161  : i32 {
        %mul3A_164 = arith.constant 128 : i32
        %mul3A_165 = arith.muli %scan3A_163, %mul3A_164 : i32
        %add3A_166 = arith.constant 0 : i32
        %add3A_167 = arith.addi %mul3A_165, %add3A_166 : i32
        %get3A = arith.index_cast %add3A_167 : i32 to index
        %get3A_168 = tpu.vector_load %arg13[%get3A] {strides = array<i32>} : memref<4096xi32, #tpu.memory_space<vmem>>, vector<16xi32>,
        %add3A_169 = arith.constant 16 : i32
        %add3A_170 = arith.addi %mul3A_165, %add3A_169 : i32
        %get3A_171 = arith.index_cast %add3A_170 : i32 to index
        %get3A_172 = tpu.vector_load %arg13[%get3A_171] {strides = array<i32>} : memref<4096xi32, #tpu.memory_space<vmem>>, vector<16xi32>,
        %add3A_173 = arith.constant 32 : i32
        %add3A_174 = arith.addi %mul3A_165, %add3A_173 : i32
        %get3A_175 = arith.index_cast %add3A_174 : i32 to index
        %get3A_176 = tpu.vector_load %arg13[%get3A_175] {strides = array<i32>} : memref<4096xi32, #tpu.memory_space<vmem>>, vector<16xi32>,
        %add3A_177 = arith.constant 48 : i32
        %add3A_178 = arith.addi %mul3A_165, %add3A_177 : i32
        %get3A_179 = arith.index_cast %add3A_178 : i32 to index
        %get3A_180 = tpu.vector_load %arg13[%get3A_179] {strides = array<i32>} : memref<4096xi32, #tpu.memory_space<vmem>>, vector<16xi32>,
        %add3A_181 = arith.constant 64 : i32
        %add3A_182 = arith.addi %mul3A_165, %add3A_181 : i32
        %get3A_183 = arith.index_cast %add3A_182 : i32 to index
        %get3A_184 = tpu.vector_load %arg13[%get3A_183] {strides = array<i32>} : memref<4096xi32, #tpu.memory_space<vmem>>, vector<16xi32>,
        %add3A_185 = arith.constant 80 : i32
        %add3A_186 = arith.addi %mul3A_165, %add3A_185 : i32
        %get3A_187 = arith.index_cast %add3A_186 : i32 to index
        %get3A_188 = tpu.vector_load %arg13[%get3A_187] {strides = array<i32>} : memref<4096xi32, #tpu.memory_space<vmem>>, vector<16xi32>,
        %add3A_189 = arith.constant 96 : i32
        %add3A_190 = arith.addi %mul3A_165, %add3A_189 : i32
        %get3A_191 = arith.index_cast %add3A_190 : i32 to index
        %get3A_192 = tpu.vector_load %arg13[%get3A_191] {strides = array<i32>} : memref<4096xi32, #tpu.memory_space<vmem>>, vector<16xi32>,
        %add3A_193 = arith.constant 112 : i32
        %add3A_194 = arith.addi %mul3A_165, %add3A_193 : i32
        %get3A_195 = arith.index_cast %add3A_194 : i32 to index
        %get3A_196 = tpu.vector_load %arg13[%get3A_195] {strides = array<i32>} : memref<4096xi32, #tpu.memory_space<vmem>>, vector<16xi32>,
        %add3A_197 = arith.constant 0 : i32
        %add3A_198 = arith.addi %mul3A_165, %add3A_197 : i32
        %get3A_199 = arith.index_cast %add3A_198 : i32 to index
        %get3A_200 = tpu.vector_load %arg17[%get3A_199] {strides = array<i32>} : memref<4096xf32, #tpu.memory_space<vmem>>, vector<16xf32>,
        %add3A_201 = arith.constant 16 : i32
        %add3A_202 = arith.addi %mul3A_165, %add3A_201 : i32
        %get3A_203 = arith.index_cast %add3A_202 : i32 to index
        %get3A_204 = tpu.vector_load %arg17[%get3A_203] {strides = array<i32>} : memref<4096xf32, #tpu.memory_space<vmem>>, vector<16xf32>,
        %add3A_205 = arith.constant 32 : i32
        %add3A_206 = arith.addi %mul3A_165, %add3A_205 : i32
        %get3A_207 = arith.index_cast %add3A_206 : i32 to index
        %get3A_208 = tpu.vector_load %arg17[%get3A_207] {strides = array<i32>} : memref<4096xf32, #tpu.memory_space<vmem>>, vector<16xf32>,
        %add3A_209 = arith.constant 48 : i32
        %add3A_210 = arith.addi %mul3A_165, %add3A_209 : i32
        %get3A_211 = arith.index_cast %add3A_210 : i32 to index
        %get3A_212 = tpu.vector_load %arg17[%get3A_211] {strides = array<i32>} : memref<4096xf32, #tpu.memory_space<vmem>>, vector<16xf32>,
        %add3A_213 = arith.constant 64 : i32
        %add3A_214 = arith.addi %mul3A_165, %add3A_213 : i32
        %get3A_215 = arith.index_cast %add3A_214 : i32 to index
        %get3A_216 = tpu.vector_load %arg17[%get3A_215] {strides = array<i32>} : memref<4096xf32, #tpu.memory_space<vmem>>, vector<16xf32>,
        %add3A_217 = arith.constant 80 : i32
        %add3A_218 = arith.addi %mul3A_165, %add3A_217 : i32
        %get3A_219 = arith.index_cast %add3A_218 : i32 to index
        %get3A_220 = tpu.vector_load %arg17[%get3A_219] {strides = array<i32>} : memref<4096xf32, #tpu.memory_space<vmem>>, vector<16xf32>,
        %add3A_221 = arith.constant 96 : i32
        %add3A_222 = arith.addi %mul3A_165, %add3A_221 : i32
        %get3A_223 = arith.index_cast %add3A_222 : i32 to index
        %get3A_224 = tpu.vector_load %arg17[%get3A_223] {strides = array<i32>} : memref<4096xf32, #tpu.memory_space<vmem>>, vector<16xf32>,
        %add3A_225 = arith.constant 112 : i32
        %add3A_226 = arith.addi %mul3A_165, %add3A_225 : i32
        %get3A_227 = arith.index_cast %add3A_226 : i32 to index
        %get3A_228 = tpu.vector_load %arg17[%get3A_227] {strides = array<i32>} : memref<4096xf32, #tpu.memory_space<vmem>>, vector<16xf32>,
        %and3A = arith.constant 16383 : i32
        %and3A_229 = vector.broadcast %and3A : i32 to vector<16xi32>
        %and3A_230 = arith.andi %get3A_168, %and3A_229 : vector<16xi32>
        %and3A_231 = arith.constant 16383 : i32
        %and3A_232 = vector.broadcast %and3A_231 : i32 to vector<16xi32>
        %and3A_233 = arith.andi %get3A_172, %and3A_232 : vector<16xi32>
        %and3A_234 = arith.constant 16383 : i32
        %and3A_235 = vector.broadcast %and3A_234 : i32 to vector<16xi32>
        %and3A_236 = arith.andi %get3A_176, %and3A_235 : vector<16xi32>
        %and3A_237 = arith.constant 16383 : i32
        %and3A_238 = vector.broadcast %and3A_237 : i32 to vector<16xi32>
        %and3A_239 = arith.andi %get3A_180, %and3A_238 : vector<16xi32>
        %and3A_240 = arith.constant 16383 : i32
        %and3A_241 = vector.broadcast %and3A_240 : i32 to vector<16xi32>
        %and3A_242 = arith.andi %get3A_184, %and3A_241 : vector<16xi32>
        %and3A_243 = arith.constant 16383 : i32
        %and3A_244 = vector.broadcast %and3A_243 : i32 to vector<16xi32>
        %and3A_245 = arith.andi %get3A_188, %and3A_244 : vector<16xi32>
        %and3A_246 = arith.constant 16383 : i32
        %and3A_247 = vector.broadcast %and3A_246 : i32 to vector<16xi32>
        %and3A_248 = arith.andi %get3A_192, %and3A_247 : vector<16xi32>
        %and3A_249 = arith.constant 16383 : i32
        %and3A_250 = vector.broadcast %and3A_249 : i32 to vector<16xi32>
        %and3A_251 = arith.andi %get3A_196, %and3A_250 : vector<16xi32>
        %shift_right_logical3A = arith.constant 14 : i32
        %shift_right_logical3A_252 = vector.broadcast %shift_right_logical3A : i32 to vector<16xi32>
        %shift_right_logical3A_253 = arith.shrui %get3A_168, %shift_right_logical3A_252 : vector<16xi32>
        %shift_right_logical3A_254 = arith.constant 14 : i32
        %shift_right_logical3A_255 = vector.broadcast %shift_right_logical3A_254 : i32 to vector<16xi32>
        %shift_right_logical3A_256 = arith.shrui %get3A_172, %shift_right_logical3A_255 : vector<16xi32>
        %shift_right_logical3A_257 = arith.constant 14 : i32
        %shift_right_logical3A_258 = vector.broadcast %shift_right_logical3A_257 : i32 to vector<16xi32>
        %shift_right_logical3A_259 = arith.shrui %get3A_176, %shift_right_logical3A_258 : vector<16xi32>
        %shift_right_logical3A_260 = arith.constant 14 : i32
        %shift_right_logical3A_261 = vector.broadcast %shift_right_logical3A_260 : i32 to vector<16xi32>
        %shift_right_logical3A_262 = arith.shrui %get3A_180, %shift_right_logical3A_261 : vector<16xi32>
        %shift_right_logical3A_263 = arith.constant 14 : i32
        %shift_right_logical3A_264 = vector.broadcast %shift_right_logical3A_263 : i32 to vector<16xi32>
        %shift_right_logical3A_265 = arith.shrui %get3A_184, %shift_right_logical3A_264 : vector<16xi32>
        %shift_right_logical3A_266 = arith.constant 14 : i32
        %shift_right_logical3A_267 = vector.broadcast %shift_right_logical3A_266 : i32 to vector<16xi32>
        %shift_right_logical3A_268 = arith.shrui %get3A_188, %shift_right_logical3A_267 : vector<16xi32>
        %shift_right_logical3A_269 = arith.constant 14 : i32
        %shift_right_logical3A_270 = vector.broadcast %shift_right_logical3A_269 : i32 to vector<16xi32>
        %shift_right_logical3A_271 = arith.shrui %get3A_192, %shift_right_logical3A_270 : vector<16xi32>
        %shift_right_logical3A_272 = arith.constant 14 : i32
        %shift_right_logical3A_273 = vector.broadcast %shift_right_logical3A_272 : i32 to vector<16xi32>
        %shift_right_logical3A_274 = arith.shrui %get3A_196, %shift_right_logical3A_273 : vector<16xi32>
        %gather3A = tpu.vector_load_idx %arg8[%shift_right_logical3A_253] : memref<16384xf32, #tpu.memory_space<vmem>>[vector<16xi32>], vector<16xf32>,
        %gather3A_275 = tpu.vector_load_idx %arg8[%shift_right_logical3A_256] : memref<16384xf32, #tpu.memory_space<vmem>>[vector<16xi32>], vector<16xf32>,
        %gather3A_276 = tpu.vector_load_idx %arg8[%shift_right_logical3A_259] : memref<16384xf32, #tpu.memory_space<vmem>>[vector<16xi32>], vector<16xf32>,
        %gather3A_277 = tpu.vector_load_idx %arg8[%shift_right_logical3A_262] : memref<16384xf32, #tpu.memory_space<vmem>>[vector<16xi32>], vector<16xf32>,
        %gather3A_278 = tpu.vector_load_idx %arg8[%shift_right_logical3A_265] : memref<16384xf32, #tpu.memory_space<vmem>>[vector<16xi32>], vector<16xf32>,
        %gather3A_279 = tpu.vector_load_idx %arg8[%shift_right_logical3A_268] : memref<16384xf32, #tpu.memory_space<vmem>>[vector<16xi32>], vector<16xf32>,
        %gather3A_280 = tpu.vector_load_idx %arg8[%shift_right_logical3A_271] : memref<16384xf32, #tpu.memory_space<vmem>>[vector<16xi32>], vector<16xf32>,
        %gather3A_281 = tpu.vector_load_idx %arg8[%shift_right_logical3A_274] : memref<16384xf32, #tpu.memory_space<vmem>>[vector<16xi32>], vector<16xf32>,
        %gather3A_282 = tpu.vector_load_idx %arg8[%and3A_230] : memref<16384xf32, #tpu.memory_space<vmem>>[vector<16xi32>], vector<16xf32>,
        %gather3A_283 = tpu.vector_load_idx %arg8[%and3A_233] : memref<16384xf32, #tpu.memory_space<vmem>>[vector<16xi32>], vector<16xf32>,
        %gather3A_284 = tpu.vector_load_idx %arg8[%and3A_236] : memref<16384xf32, #tpu.memory_space<vmem>>[vector<16xi32>], vector<16xf32>,
        %gather3A_285 = tpu.vector_load_idx %arg8[%and3A_239] : memref<16384xf32, #tpu.memory_space<vmem>>[vector<16xi32>], vector<16xf32>,
        %gather3A_286 = tpu.vector_load_idx %arg8[%and3A_242] : memref<16384xf32, #tpu.memory_space<vmem>>[vector<16xi32>], vector<16xf32>,
        %gather3A_287 = tpu.vector_load_idx %arg8[%and3A_245] : memref<16384xf32, #tpu.memory_space<vmem>>[vector<16xi32>], vector<16xf32>,
        %gather3A_288 = tpu.vector_load_idx %arg8[%and3A_248] : memref<16384xf32, #tpu.memory_space<vmem>>[vector<16xi32>], vector<16xf32>,
        %gather3A_289 = tpu.vector_load_idx %arg8[%and3A_251] : memref<16384xf32, #tpu.memory_space<vmem>>[vector<16xi32>], vector<16xf32>,
        %mul3A_290 = arith.mulf %get3A_200, %gather3A : vector<16xf32>
        tpu.vector_store_idx %arg9[%and3A_230], %mul3A_290 {add = true} : memref<16384xf32, #tpu.memory_space<vmem>>[vector<16xi32>], vector<16xf32>,
        %mul3A_291 = arith.mulf %get3A_204, %gather3A_275 : vector<16xf32>
        tpu.vector_store_idx %arg9[%and3A_233], %mul3A_291 {add = true} : memref<16384xf32, #tpu.memory_space<vmem>>[vector<16xi32>], vector<16xf32>,
        %mul3A_292 = arith.mulf %get3A_208, %gather3A_276 : vector<16xf32>
        tpu.vector_store_idx %arg9[%and3A_236], %mul3A_292 {add = true} : memref<16384xf32, #tpu.memory_space<vmem>>[vector<16xi32>], vector<16xf32>,
        %mul3A_293 = arith.mulf %get3A_212, %gather3A_277 : vector<16xf32>
        tpu.vector_store_idx %arg9[%and3A_239], %mul3A_293 {add = true} : memref<16384xf32, #tpu.memory_space<vmem>>[vector<16xi32>], vector<16xf32>,
        %mul3A_294 = arith.mulf %get3A_216, %gather3A_278 : vector<16xf32>
        tpu.vector_store_idx %arg9[%and3A_242], %mul3A_294 {add = true} : memref<16384xf32, #tpu.memory_space<vmem>>[vector<16xi32>], vector<16xf32>,
        %mul3A_295 = arith.mulf %get3A_220, %gather3A_279 : vector<16xf32>
        tpu.vector_store_idx %arg9[%and3A_245], %mul3A_295 {add = true} : memref<16384xf32, #tpu.memory_space<vmem>>[vector<16xi32>], vector<16xf32>,
        %mul3A_296 = arith.mulf %get3A_224, %gather3A_280 : vector<16xf32>
        tpu.vector_store_idx %arg9[%and3A_248], %mul3A_296 {add = true} : memref<16384xf32, #tpu.memory_space<vmem>>[vector<16xi32>], vector<16xf32>,
        %mul3A_297 = arith.mulf %get3A_228, %gather3A_281 : vector<16xf32>
        tpu.vector_store_idx %arg9[%and3A_251], %mul3A_297 {add = true} : memref<16384xf32, #tpu.memory_space<vmem>>[vector<16xi32>], vector<16xf32>,
        %mul3A_298 = arith.mulf %get3A_200, %gather3A_282 : vector<16xf32>
        tpu.vector_store_idx %arg9[%shift_right_logical3A_253], %mul3A_298 {add = true} : memref<16384xf32, #tpu.memory_space<vmem>>[vector<16xi32>], vector<16xf32>,
        %mul3A_299 = arith.mulf %get3A_204, %gather3A_283 : vector<16xf32>
        tpu.vector_store_idx %arg9[%shift_right_logical3A_256], %mul3A_299 {add = true} : memref<16384xf32, #tpu.memory_space<vmem>>[vector<16xi32>], vector<16xf32>,
        %mul3A_300 = arith.mulf %get3A_208, %gather3A_284 : vector<16xf32>
        tpu.vector_store_idx %arg9[%shift_right_logical3A_259], %mul3A_300 {add = true} : memref<16384xf32, #tpu.memory_space<vmem>>[vector<16xi32>], vector<16xf32>,
        %mul3A_301 = arith.mulf %get3A_212, %gather3A_285 : vector<16xf32>
        tpu.vector_store_idx %arg9[%shift_right_logical3A_262], %mul3A_301 {add = true} : memref<16384xf32, #tpu.memory_space<vmem>>[vector<16xi32>], vector<16xf32>,
        %mul3A_302 = arith.mulf %get3A_216, %gather3A_286 : vector<16xf32>
        tpu.vector_store_idx %arg9[%shift_right_logical3A_265], %mul3A_302 {add = true} : memref<16384xf32, #tpu.memory_space<vmem>>[vector<16xi32>], vector<16xf32>,
        %mul3A_303 = arith.mulf %get3A_220, %gather3A_287 : vector<16xf32>
        tpu.vector_store_idx %arg9[%shift_right_logical3A_268], %mul3A_303 {add = true} : memref<16384xf32, #tpu.memory_space<vmem>>[vector<16xi32>], vector<16xf32>,
        %mul3A_304 = arith.mulf %get3A_224, %gather3A_288 : vector<16xf32>
        tpu.vector_store_idx %arg9[%shift_right_logical3A_271], %mul3A_304 {add = true} : memref<16384xf32, #tpu.memory_space<vmem>>[vector<16xi32>], vector<16xf32>,
        %mul3A_305 = arith.mulf %get3A_228, %gather3A_289 : vector<16xf32>
        tpu.vector_store_idx %arg9[%shift_right_logical3A_274], %mul3A_305 {add = true} : memref<16384xf32, #tpu.memory_space<vmem>>[vector<16xi32>], vector<16xf32>,
      }
      %scan3A_162 = arith.constant 32 : i32
    }
    %scan3A_51 = arith.constant 5 : i32
    "tpu.region"() ({
      %run_scoped3A_63 = tpu.sem_alloc : memref<!tpu.dma_semaphore, #tpu.memory_space<semaphore_mem>>
      %dma_start3A_64 = arith.constant 0 : i32
      %dma_start3A_65 = tpu.memref_slice %arg6[%arg1, %dma_start3A_64] : memref<16x16384xf32, #tpu.memory_space<vmem_shared>> -> memref<1x16384xf32, #tpu.memory_space<vmem_shared>>
      %dma_start3A_66 = tpu.memref_squeeze %dma_start3A_65 : memref<1x16384xf32, #tpu.memory_space<vmem_shared>> -> memref<16384xf32, #tpu.memory_space<vmem_shared>>
      %dma_start3A_67 = arith.constant 0 : i32
      %dma_start3A_68 = tpu.memref_slice %arg6[%arg1, %dma_start3A_67] : memref<16x16384xf32, #tpu.memory_space<vmem_shared>> -> memref<1x16384xf32, #tpu.memory_space<vmem_shared>>
      %dma_start3A_69 = tpu.memref_squeeze %dma_start3A_68 : memref<1x16384xf32, #tpu.memory_space<vmem_shared>> -> memref<16384xf32, #tpu.memory_space<vmem_shared>>
      tpu.enqueue_dma source(%arg9 : memref<16384xf32, #tpu.memory_space<vmem>>) target(%dma_start3A_69 : memref<16384xf32, #tpu.memory_space<vmem_shared>>) target_semaphore(%run_scoped3A_63 : memref<!tpu.dma_semaphore, #tpu.memory_space<semaphore_mem>>)
      %dma_wait3A = arith.constant 0 : i32
      %dma_wait3A_70 = tpu.memref_slice %arg6[%arg1, %dma_wait3A] : memref<16x16384xf32, #tpu.memory_space<vmem_shared>> -> memref<1x16384xf32, #tpu.memory_space<vmem_shared>>
      %dma_wait3A_71 = tpu.memref_squeeze %dma_wait3A_70 : memref<1x16384xf32, #tpu.memory_space<vmem_shared>> -> memref<16384xf32, #tpu.memory_space<vmem_shared>>
      %dma_wait3A_72 = arith.constant 0 : i32
      %dma_wait3A_73 = tpu.memref_slice %arg6[%arg1, %dma_wait3A_72] : memref<16x16384xf32, #tpu.memory_space<vmem_shared>> -> memref<1x16384xf32, #tpu.memory_space<vmem_shared>>
      %dma_wait3A_74 = tpu.memref_squeeze %dma_wait3A_73 : memref<1x16384xf32, #tpu.memory_space<vmem_shared>> -> memref<16384xf32, #tpu.memory_space<vmem_shared>>
      tpu.wait_dma2 semaphore(%run_scoped3A_63 : memref<!tpu.dma_semaphore, #tpu.memory_space<semaphore_mem>>) src(%arg9 : memref<16384xf32, #tpu.memory_space<vmem>>) dst(%dma_wait3A_74 : memref<16384xf32, #tpu.memory_space<vmem_shared>>)
      tpu.yield
    }) : () -> ()
    %barrier3A_52 = arith.constant 0 : index
    tpu.barrier barrier_id(%barrier3A_52)
    %mul3A_53 = arith.constant 1024 : i32
    %mul3A_54 = arith.muli %arg1, %mul3A_53 : i32
    "tpu.region"() ({
      %run_scoped3A_63 = tpu.sem_alloc : memref<!tpu.dma_semaphore, #tpu.memory_space<semaphore_mem>>
      %dma_start3A_64 = arith.constant 0 : i32
      %dma_start3A_65 = tpu.memref_slice %arg6[%dma_start3A_64, %mul3A_54] : memref<16x16384xf32, #tpu.memory_space<vmem_shared>> -> memref<16x1024xf32, #tpu.memory_space<vmem_shared>>
      %dma_start3A_66 = arith.constant 0 : i32
      %dma_start3A_67 = tpu.memref_slice %arg6[%dma_start3A_66, %mul3A_54] : memref<16x16384xf32, #tpu.memory_space<vmem_shared>> -> memref<16x1024xf32, #tpu.memory_space<vmem_shared>>
      tpu.enqueue_dma source(%dma_start3A_67 : memref<16x1024xf32, #tpu.memory_space<vmem_shared>>) target(%arg7 : memref<16x1024xf32, #tpu.memory_space<vmem>>) target_semaphore(%run_scoped3A_63 : memref<!tpu.dma_semaphore, #tpu.memory_space<semaphore_mem>>)
      %dma_wait3A = arith.constant 0 : i32
      %dma_wait3A_68 = tpu.memref_slice %arg6[%dma_wait3A, %mul3A_54] : memref<16x16384xf32, #tpu.memory_space<vmem_shared>> -> memref<16x1024xf32, #tpu.memory_space<vmem_shared>>
      %dma_wait3A_69 = arith.constant 0 : i32
      %dma_wait3A_70 = tpu.memref_slice %arg6[%dma_wait3A_69, %mul3A_54] : memref<16x16384xf32, #tpu.memory_space<vmem_shared>> -> memref<16x1024xf32, #tpu.memory_space<vmem_shared>>
      tpu.wait_dma2 semaphore(%run_scoped3A_63 : memref<!tpu.dma_semaphore, #tpu.memory_space<semaphore_mem>>) src(%dma_wait3A_70 : memref<16x1024xf32, #tpu.memory_space<vmem_shared>>) dst(%arg7 : memref<16x1024xf32, #tpu.memory_space<vmem>>)
      tpu.yield
    }) : () -> ()
    %scan3A_55 = arith.constant 0 : i32
    %scan3A_56 = arith.constant 0 : i32
    %scan3A_57 = arith.constant 64 : i32
    %scan3A_58 = arith.addi %scan3A_56, %scan3A_57 : i32
    %scan3A_59 = arith.constant 1 : i32
    scf.for %scan3A_63 = %scan3A_56 to %scan3A_58 step %scan3A_59  : i32 {
      %mul3A_64 = arith.constant 16 : i32
      %mul3A_65 = arith.muli %scan3A_63, %mul3A_64 : i32
      %get3A = arith.constant 0 : i32
      %get3A_66 = arith.index_cast %get3A : i32 to index
      %get3A_67 = arith.index_cast %mul3A_65 : i32 to index
      %get3A_68 = tpu.vector_load %arg7[%get3A_66, %get3A_67] {strides = array<i32>} : memref<16x1024xf32, #tpu.memory_space<vmem>>, vector<16xf32>,
      %mul3A_69 = arith.constant 16 : i32
      %mul3A_70 = arith.muli %scan3A_63, %mul3A_69 : i32
      %get3A_71 = arith.constant 1 : i32
      %get3A_72 = arith.index_cast %get3A_71 : i32 to index
      %get3A_73 = arith.index_cast %mul3A_70 : i32 to index
      %get3A_74 = tpu.vector_load %arg7[%get3A_72, %get3A_73] {strides = array<i32>} : memref<16x1024xf32, #tpu.memory_space<vmem>>, vector<16xf32>,
      %add3A_75 = arith.addf %get3A_68, %get3A_74 : vector<16xf32>
      %mul3A_76 = arith.constant 16 : i32
      %mul3A_77 = arith.muli %scan3A_63, %mul3A_76 : i32
      %get3A_78 = arith.constant 2 : i32
      %get3A_79 = arith.index_cast %get3A_78 : i32 to index
      %get3A_80 = arith.index_cast %mul3A_77 : i32 to index
      %get3A_81 = tpu.vector_load %arg7[%get3A_79, %get3A_80] {strides = array<i32>} : memref<16x1024xf32, #tpu.memory_space<vmem>>, vector<16xf32>,
      %add3A_82 = arith.addf %add3A_75, %get3A_81 : vector<16xf32>
      %mul3A_83 = arith.constant 16 : i32
      %mul3A_84 = arith.muli %scan3A_63, %mul3A_83 : i32
      %get3A_85 = arith.constant 3 : i32
      %get3A_86 = arith.index_cast %get3A_85 : i32 to index
      %get3A_87 = arith.index_cast %mul3A_84 : i32 to index
      %get3A_88 = tpu.vector_load %arg7[%get3A_86, %get3A_87] {strides = array<i32>} : memref<16x1024xf32, #tpu.memory_space<vmem>>, vector<16xf32>,
      %add3A_89 = arith.addf %add3A_82, %get3A_88 : vector<16xf32>
      %mul3A_90 = arith.constant 16 : i32
      %mul3A_91 = arith.muli %scan3A_63, %mul3A_90 : i32
      %get3A_92 = arith.constant 4 : i32
      %get3A_93 = arith.index_cast %get3A_92 : i32 to index
      %get3A_94 = arith.index_cast %mul3A_91 : i32 to index
      %get3A_95 = tpu.vector_load %arg7[%get3A_93, %get3A_94] {strides = array<i32>} : memref<16x1024xf32, #tpu.memory_space<vmem>>, vector<16xf32>,
      %add3A_96 = arith.addf %add3A_89, %get3A_95 : vector<16xf32>
      %mul3A_97 = arith.constant 16 : i32
      %mul3A_98 = arith.muli %scan3A_63, %mul3A_97 : i32
      %get3A_99 = arith.constant 5 : i32
      %get3A_100 = arith.index_cast %get3A_99 : i32 to index
      %get3A_101 = arith.index_cast %mul3A_98 : i32 to index
      %get3A_102 = tpu.vector_load %arg7[%get3A_100, %get3A_101] {strides = array<i32>} : memref<16x1024xf32, #tpu.memory_space<vmem>>, vector<16xf32>,
      %add3A_103 = arith.addf %add3A_96, %get3A_102 : vector<16xf32>
      %mul3A_104 = arith.constant 16 : i32
      %mul3A_105 = arith.muli %scan3A_63, %mul3A_104 : i32
      %get3A_106 = arith.constant 6 : i32
      %get3A_107 = arith.index_cast %get3A_106 : i32 to index
      %get3A_108 = arith.index_cast %mul3A_105 : i32 to index
      %get3A_109 = tpu.vector_load %arg7[%get3A_107, %get3A_108] {strides = array<i32>} : memref<16x1024xf32, #tpu.memory_space<vmem>>, vector<16xf32>,
      %add3A_110 = arith.addf %add3A_103, %get3A_109 : vector<16xf32>
      %mul3A_111 = arith.constant 16 : i32
      %mul3A_112 = arith.muli %scan3A_63, %mul3A_111 : i32
      %get3A_113 = arith.constant 7 : i32
      %get3A_114 = arith.index_cast %get3A_113 : i32 to index
      %get3A_115 = arith.index_cast %mul3A_112 : i32 to index
      %get3A_116 = tpu.vector_load %arg7[%get3A_114, %get3A_115] {strides = array<i32>} : memref<16x1024xf32, #tpu.memory_space<vmem>>, vector<16xf32>,
      %add3A_117 = arith.addf %add3A_110, %get3A_116 : vector<16xf32>
      %mul3A_118 = arith.constant 16 : i32
      %mul3A_119 = arith.muli %scan3A_63, %mul3A_118 : i32
      %get3A_120 = arith.constant 8 : i32
      %get3A_121 = arith.index_cast %get3A_120 : i32 to index
      %get3A_122 = arith.index_cast %mul3A_119 : i32 to index
      %get3A_123 = tpu.vector_load %arg7[%get3A_121, %get3A_122] {strides = array<i32>} : memref<16x1024xf32, #tpu.memory_space<vmem>>, vector<16xf32>,
      %add3A_124 = arith.addf %add3A_117, %get3A_123 : vector<16xf32>
      %mul3A_125 = arith.constant 16 : i32
      %mul3A_126 = arith.muli %scan3A_63, %mul3A_125 : i32
      %get3A_127 = arith.constant 9 : i32
      %get3A_128 = arith.index_cast %get3A_127 : i32 to index
      %get3A_129 = arith.index_cast %mul3A_126 : i32 to index
      %get3A_130 = tpu.vector_load %arg7[%get3A_128, %get3A_129] {strides = array<i32>} : memref<16x1024xf32, #tpu.memory_space<vmem>>, vector<16xf32>,
      %add3A_131 = arith.addf %add3A_124, %get3A_130 : vector<16xf32>
      %mul3A_132 = arith.constant 16 : i32
      %mul3A_133 = arith.muli %scan3A_63, %mul3A_132 : i32
      %get3A_134 = arith.constant 10 : i32
      %get3A_135 = arith.index_cast %get3A_134 : i32 to index
      %get3A_136 = arith.index_cast %mul3A_133 : i32 to index
      %get3A_137 = tpu.vector_load %arg7[%get3A_135, %get3A_136] {strides = array<i32>} : memref<16x1024xf32, #tpu.memory_space<vmem>>, vector<16xf32>,
      %add3A_138 = arith.addf %add3A_131, %get3A_137 : vector<16xf32>
      %mul3A_139 = arith.constant 16 : i32
      %mul3A_140 = arith.muli %scan3A_63, %mul3A_139 : i32
      %get3A_141 = arith.constant 11 : i32
      %get3A_142 = arith.index_cast %get3A_141 : i32 to index
      %get3A_143 = arith.index_cast %mul3A_140 : i32 to index
      %get3A_144 = tpu.vector_load %arg7[%get3A_142, %get3A_143] {strides = array<i32>} : memref<16x1024xf32, #tpu.memory_space<vmem>>, vector<16xf32>,
      %add3A_145 = arith.addf %add3A_138, %get3A_144 : vector<16xf32>
      %mul3A_146 = arith.constant 16 : i32
      %mul3A_147 = arith.muli %scan3A_63, %mul3A_146 : i32
      %get3A_148 = arith.constant 12 : i32
      %get3A_149 = arith.index_cast %get3A_148 : i32 to index
      %get3A_150 = arith.index_cast %mul3A_147 : i32 to index
      %get3A_151 = tpu.vector_load %arg7[%get3A_149, %get3A_150] {strides = array<i32>} : memref<16x1024xf32, #tpu.memory_space<vmem>>, vector<16xf32>,
      %add3A_152 = arith.addf %add3A_145, %get3A_151 : vector<16xf32>
      %mul3A_153 = arith.constant 16 : i32
      %mul3A_154 = arith.muli %scan3A_63, %mul3A_153 : i32
      %get3A_155 = arith.constant 13 : i32
      %get3A_156 = arith.index_cast %get3A_155 : i32 to index
      %get3A_157 = arith.index_cast %mul3A_154 : i32 to index
      %get3A_158 = tpu.vector_load %arg7[%get3A_156, %get3A_157] {strides = array<i32>} : memref<16x1024xf32, #tpu.memory_space<vmem>>, vector<16xf32>,
      %add3A_159 = arith.addf %add3A_152, %get3A_158 : vector<16xf32>
      %mul3A_160 = arith.constant 16 : i32
      %mul3A_161 = arith.muli %scan3A_63, %mul3A_160 : i32
      %get3A_162 = arith.constant 14 : i32
      %get3A_163 = arith.index_cast %get3A_162 : i32 to index
      %get3A_164 = arith.index_cast %mul3A_161 : i32 to index
      %get3A_165 = tpu.vector_load %arg7[%get3A_163, %get3A_164] {strides = array<i32>} : memref<16x1024xf32, #tpu.memory_space<vmem>>, vector<16xf32>,
      %add3A_166 = arith.addf %add3A_159, %get3A_165 : vector<16xf32>
      %mul3A_167 = arith.constant 16 : i32
      %mul3A_168 = arith.muli %scan3A_63, %mul3A_167 : i32
      %get3A_169 = arith.constant 15 : i32
      %get3A_170 = arith.index_cast %get3A_169 : i32 to index
      %get3A_171 = arith.index_cast %mul3A_168 : i32 to index
      %get3A_172 = tpu.vector_load %arg7[%get3A_170, %get3A_171] {strides = array<i32>} : memref<16x1024xf32, #tpu.memory_space<vmem>>, vector<16xf32>,
      %add3A_173 = arith.addf %add3A_166, %get3A_172 : vector<16xf32>
      %mul3A_174 = arith.constant 16 : i32
      %mul3A_175 = arith.muli %scan3A_63, %mul3A_174 : i32
      %swap3A = arith.index_cast %mul3A_175 : i32 to index
      %swap3A_176 = tpu.vector_load %arg9[%swap3A] {strides = array<i32>} : memref<16384xf32, #tpu.memory_space<vmem>>, vector<16xf32>,
      tpu.vector_store %arg9[%swap3A], %add3A_173 {strides = array<i32>} : memref<16384xf32, #tpu.memory_space<vmem>>, vector<16xf32>,
    }
    %scan3A_60 = arith.constant 64 : i32
    %mul3A_61 = arith.constant 1024 : i32
    %mul3A_62 = arith.muli %arg1, %mul3A_61 : i32
    "tpu.region"() ({
      %run_scoped3A_63 = tpu.sem_alloc : memref<!tpu.dma_semaphore, #tpu.memory_space<semaphore_mem>>
      %dma_start3A_64 = arith.constant 0 : i32
      %dma_start3A_65 = tpu.memref_slice %arg9[%dma_start3A_64] : memref<16384xf32, #tpu.memory_space<vmem>> -> memref<1024xf32, #tpu.memory_space<vmem>>
      %dma_start3A_66 = tpu.memref_slice %arg5[%arg0, %mul3A_62] : memref<2x16384xf32, #tpu.memory_space<hbm>> -> memref<1x1024xf32, #tpu.memory_space<hbm>>
      %dma_start3A_67 = tpu.memref_squeeze %dma_start3A_66 : memref<1x1024xf32, #tpu.memory_space<hbm>> -> memref<1024xf32, #tpu.memory_space<hbm>>
      %dma_start3A_68 = tpu.memref_slice %arg5[%arg0, %mul3A_62] : memref<2x16384xf32, #tpu.memory_space<hbm>> -> memref<1x1024xf32, #tpu.memory_space<hbm>>
      %dma_start3A_69 = tpu.memref_squeeze %dma_start3A_68 : memref<1x1024xf32, #tpu.memory_space<hbm>> -> memref<1024xf32, #tpu.memory_space<hbm>>
      %dma_start3A_70 = arith.constant 0 : i32
      %dma_start3A_71 = tpu.memref_slice %arg9[%dma_start3A_70] : memref<16384xf32, #tpu.memory_space<vmem>> -> memref<1024xf32, #tpu.memory_space<vmem>>
      tpu.enqueue_dma source(%dma_start3A_71 : memref<1024xf32, #tpu.memory_space<vmem>>) target(%dma_start3A_69 : memref<1024xf32, #tpu.memory_space<hbm>>) target_semaphore(%run_scoped3A_63 : memref<!tpu.dma_semaphore, #tpu.memory_space<semaphore_mem>>)
      %dma_wait3A = arith.constant 0 : i32
      %dma_wait3A_72 = tpu.memref_slice %arg9[%dma_wait3A] : memref<16384xf32, #tpu.memory_space<vmem>> -> memref<1024xf32, #tpu.memory_space<vmem>>
      %dma_wait3A_73 = tpu.memref_slice %arg5[%arg0, %mul3A_62] : memref<2x16384xf32, #tpu.memory_space<hbm>> -> memref<1x1024xf32, #tpu.memory_space<hbm>>
      %dma_wait3A_74 = tpu.memref_squeeze %dma_wait3A_73 : memref<1x1024xf32, #tpu.memory_space<hbm>> -> memref<1024xf32, #tpu.memory_space<hbm>>
      %dma_wait3A_75 = tpu.memref_slice %arg5[%arg0, %mul3A_62] : memref<2x16384xf32, #tpu.memory_space<hbm>> -> memref<1x1024xf32, #tpu.memory_space<hbm>>
      %dma_wait3A_76 = tpu.memref_squeeze %dma_wait3A_75 : memref<1x1024xf32, #tpu.memory_space<hbm>> -> memref<1024xf32, #tpu.memory_space<hbm>>
      %dma_wait3A_77 = arith.constant 0 : i32
      %dma_wait3A_78 = tpu.memref_slice %arg9[%dma_wait3A_77] : memref<16384xf32, #tpu.memory_space<vmem>> -> memref<1024xf32, #tpu.memory_space<vmem>>
      tpu.wait_dma2 semaphore(%run_scoped3A_63 : memref<!tpu.dma_semaphore, #tpu.memory_space<semaphore_mem>>) src(%dma_wait3A_78 : memref<1024xf32, #tpu.memory_space<vmem>>) dst(%dma_wait3A_76 : memref<1024xf32, #tpu.memory_space<hbm>>)
      tpu.yield
    }) : () -> ()
    return
  }
}

module attributes {stable_mosaic.version = 14 : i64} {
  func.func @body(%arg0: memref<2x128x128xf32, #tpu.memory_space<vmem>>, %arg1: memref<128x128xf32, #tpu.memory_space<vmem>>, %arg2: memref<128x128xf32, #tpu.memory_space<vmem>>, %arg3: memref<128x128xf32, #tpu.memory_space<vmem>>, %arg4: memref<128x128xf32, #tpu.memory_space<vmem>>, %arg5: memref<128x128xf32, #tpu.memory_space<vmem>>, %arg6: memref<128x128xf32, #tpu.memory_space<vmem>>) attributes {dimension_semantics = [], scalar_prefetch = 0 : i64, scratch_operands = 0 : i64, tpu.core_type = #tpu.core_type<tc>} {
    %get3A = arith.constant 0 : index
    %get3A_0 = arith.constant 0 : index
    %get3A_1 = arith.constant 0 : index
    %get3A_2 = vector.load %arg0[%get3A, %get3A_0, %get3A_1] : memref<2x128x128xf32, #tpu.memory_space<vmem>>, vector<2x128x128xf32>
    %reduce_sum3A = arith.constant dense<0.000000e+00> : vector<128x128xf32>
    %reduce_sum3A_3 = vector.multi_reduction <add>, %get3A_2, %reduce_sum3A [0] : vector<2x128x128xf32> to vector<128x128xf32>
    %get3A_4 = arith.constant 0 : index
    %get3A_5 = arith.constant 0 : index
    %get3A_6 = vector.load %arg1[%get3A_4, %get3A_5] : memref<128x128xf32, #tpu.memory_space<vmem>>, vector<128x128xf32>
    %mul3A = arith.constant 2.000000e+02 : f32
    %mul3A_7 = vector.broadcast %mul3A : f32 to vector<128x128xf32>
    %mul3A_8 = arith.mulf %mul3A_7, %get3A_6 : vector<128x128xf32>
    %add3A = arith.addf %reduce_sum3A_3, %mul3A_8 : vector<128x128xf32>
    %get3A_9 = arith.constant 0 : index
    %get3A_10 = arith.constant 0 : index
    %get3A_11 = vector.load %arg1[%get3A_9, %get3A_10] : memref<128x128xf32, #tpu.memory_space<vmem>>, vector<128x128xf32>
    %get3A_12 = arith.constant 0 : index
    %get3A_13 = arith.constant 0 : index
    %get3A_14 = vector.load %arg2[%get3A_12, %get3A_13] : memref<128x128xf32, #tpu.memory_space<vmem>>, vector<128x128xf32>
    %get3A_15 = arith.constant 0 : index
    %get3A_16 = arith.constant 0 : index
    %get3A_17 = vector.load %arg3[%get3A_15, %get3A_16] : memref<128x128xf32, #tpu.memory_space<vmem>>, vector<128x128xf32>
    %mul3A_18 = arith.mulf %get3A_14, %get3A_14 : vector<128x128xf32>
    %reduce_sum3A_19 = vector.shape_cast %mul3A_18 : vector<128x128xf32> to vector<1x128x128xf32>
    %reduce_sum3A_20 = arith.constant dense<0.000000e+00> : vector<1xf32>
    %reduce_sum3A_21 = vector.multi_reduction <add>, %reduce_sum3A_19, %reduce_sum3A_20 [1, 2] : vector<1x128x128xf32> to vector<1xf32>
    %reduce_sum3A_22 = vector.shape_cast %reduce_sum3A_21 : vector<1xf32> to vector<1x1x1xf32>
    %reduce_sum3A_23 = vector.extract %reduce_sum3A_22[0, 0, 0] : f32 from vector<1x1x1xf32>
    %mul3A_24 = arith.mulf %get3A_11, %add3A : vector<128x128xf32>
    %reduce_sum3A_25 = vector.shape_cast %mul3A_24 : vector<128x128xf32> to vector<1x128x128xf32>
    %reduce_sum3A_26 = arith.constant dense<0.000000e+00> : vector<1xf32>
    %reduce_sum3A_27 = vector.multi_reduction <add>, %reduce_sum3A_25, %reduce_sum3A_26 [1, 2] : vector<1x128x128xf32> to vector<1xf32>
    %reduce_sum3A_28 = vector.shape_cast %reduce_sum3A_27 : vector<1xf32> to vector<1x1x1xf32>
    %reduce_sum3A_29 = vector.extract %reduce_sum3A_28[0, 0, 0] : f32 from vector<1x1x1xf32>
    %add3A_30 = arith.constant 9.99999996E-13 : f32
    %add3A_31 = arith.addf %reduce_sum3A_29, %add3A_30 : f32
    %div3A = arith.divf %reduce_sum3A_23, %add3A_31 : f32
    %mul3A_32 = vector.broadcast %div3A : f32 to vector<128x128xf32>
    %mul3A_33 = arith.mulf %mul3A_32, %get3A_11 : vector<128x128xf32>
    %add3A_34 = arith.addf %get3A_17, %mul3A_33 : vector<128x128xf32>
    %mul3A_35 = vector.broadcast %div3A : f32 to vector<128x128xf32>
    %mul3A_36 = arith.mulf %mul3A_35, %add3A : vector<128x128xf32>
    %sub3A = arith.subf %get3A_14, %mul3A_36 : vector<128x128xf32>
    %mul3A_37 = arith.mulf %sub3A, %sub3A : vector<128x128xf32>
    %reduce_sum3A_38 = vector.shape_cast %mul3A_37 : vector<128x128xf32> to vector<1x128x128xf32>
    %reduce_sum3A_39 = arith.constant dense<0.000000e+00> : vector<1xf32>
    %reduce_sum3A_40 = vector.multi_reduction <add>, %reduce_sum3A_38, %reduce_sum3A_39 [1, 2] : vector<1x128x128xf32> to vector<1xf32>
    %reduce_sum3A_41 = vector.shape_cast %reduce_sum3A_40 : vector<1xf32> to vector<1x1x1xf32>
    %reduce_sum3A_42 = vector.extract %reduce_sum3A_41[0, 0, 0] : f32 from vector<1x1x1xf32>
    %add3A_43 = arith.constant 9.99999996E-13 : f32
    %add3A_44 = arith.addf %reduce_sum3A_23, %add3A_43 : f32
    %div3A_45 = arith.divf %reduce_sum3A_42, %add3A_44 : f32
    %mul3A_46 = vector.broadcast %div3A_45 : f32 to vector<128x128xf32>
    %mul3A_47 = arith.mulf %mul3A_46, %get3A_11 : vector<128x128xf32>
    %add3A_48 = arith.addf %sub3A, %mul3A_47 : vector<128x128xf32>
    %swap3A = arith.constant 0 : index
    %swap3A_49 = arith.constant 0 : index
    %swap3A_50 = vector.load %arg4[%swap3A, %swap3A_49] : memref<128x128xf32, #tpu.memory_space<vmem>>, vector<128x128xf32>
    tpu.vector_store %arg4[%swap3A, %swap3A_49], %add3A_34 {strides = array<i32>} : memref<128x128xf32, #tpu.memory_space<vmem>>, vector<128x128xf32>,
    %swap3A_51 = arith.constant 0 : index
    %swap3A_52 = arith.constant 0 : index
    %swap3A_53 = vector.load %arg5[%swap3A_51, %swap3A_52] : memref<128x128xf32, #tpu.memory_space<vmem>>, vector<128x128xf32>
    tpu.vector_store %arg5[%swap3A_51, %swap3A_52], %sub3A {strides = array<i32>} : memref<128x128xf32, #tpu.memory_space<vmem>>, vector<128x128xf32>,
    %swap3A_54 = arith.constant 0 : index
    %swap3A_55 = arith.constant 0 : index
    %swap3A_56 = vector.load %arg6[%swap3A_54, %swap3A_55] : memref<128x128xf32, #tpu.memory_space<vmem>>, vector<128x128xf32>
    tpu.vector_store %arg6[%swap3A_54, %swap3A_55], %add3A_48 {strides = array<i32>} : memref<128x128xf32, #tpu.memory_space<vmem>>, vector<128x128xf32>,
    return
  }
}

</mosaic_0001>

<sc_bundles>
// kernel: closed_call.15.cloned.1.call-start
scs
__scs_entry_jumppad:
0x0: {  	(pc) =	sbr.rel $0x88, $3  }
0x1: {  	(tag) =	ssettag $0x0;
	lr =	simm.s32 $0x1  }
0x2: {  	[smem:$0x3F9D] =	sst lr;
	_ =	strace $0xD0000000  }
0x3: {  	_ = 	snop  }
0x4: {  	_ = 	snop  }
0x5: {  	_ = 	snop  }
0x6: {  	_ = 	snop  }
0x7: {  	_ = 	snop  }
__scs_overlays_trampoline_lowered:
0x8: {  	[smem:$0x3FAC] =	sst s0  }
0x9: {  	[smem:$0x3FAD] =	sst s1  }
0xa: {  	[smem:$0x3FAE] =	sst s2  }
0xb: {  	[smem:$0x3FAF] =	sst s3  }
0xc: {  	[smem:$0x3FB0] =	sst s4  }
0xd: {  	[smem:$0x3FB1] =	sst s5  }
0xe: {  	[smem:$0x3FB2] =	sst s6  }
0xf: {  	[smem:$0x3FB3] =	sst s7  }
0x10: {  	[smem:$0x3FB4] =	sst s8  }
0x11: {  	[smem:$0x3FB5] =	sst s9;
	s0 =	simm.s32 @!p0 $0x0  }
0x12: {  	s1 =	sld [smem:$0x3F9B];
	s0 =	simm.s32 @p0 $0x1  }
0x13: {  	[smem:$0x3FB6] =	sst s0;
	s0 =	simm.s32 @!p1 $0x0  }
0x14: {  	s2 =	sld [smem:$0x3F9A];
	s0 =	simm.s32 @p1 $0x1  }
0x15: {  	[smem:$0x3FB7] =	sst s0;
	s0 =	simm.s32 @!p2 $0x0  }
0x16: {  	s3 =	sld [smem:$0x3FDB];
	s0 =	simm.s32 @p2 $0x1  }
0x17: {  	s4 =	simm.s32 $0x1BF5;
	[smem:$0x3FB9] =	sst s0  }
0x18: {  	s0 =	sld [smem:$0x3F9C];
	_ =	swait.ge [sflag:s4], $0x0  }
0x19: {  	s7 =	sld [smem:$0x3F9D]  }
0x1a: {  	s8 =	sadd.s32 $0xFFFFE003, lr  }
0x1b: {  	s9 =	sadd.s32 $0xFFFFFEF7, lr;
	s5 =	simm.s32 $0xFFFFFFFF;
	p2 =	slt.u32 s8, $0xFFFFF086  }
0x1c: {  	p1 =	slt.u32 s9, $0xF7A;
	s5 =	simm.s32 @!p2 $0x0  }
0x1d: {  	s5 =	simm.s32 @p1 $0x1;
	p0 =	seq.s32 s7, s2  }
0x1e: {  	s7 =	smul.u32 @!p0 $0xF7A, s2;
	p2 =	seq.s32 @!p0 s5, $0x0  }
0x1f: {  	s9 =	smul.u32 $0xF7A, s1;
	s8 =	simm.s32 @!p0 $0x1BF5;
	p2 =	por !p2, p0  }
0x20: {  	[sflag:s8] =	ssyncset.s32 @!p0 $0xFFFFF086;
	s6 =	sadd.s32 @!p0 s3, s7;
	s7 =	simm.s32 @!p0 $0x108  }
0x21: {  	s3 =	sadd.s32 s3, s9;
	s6 =	sadd.s32 @!p0 $0x88, s6;
	s7 =	simm.s32 @p2 $0x1082  }
0x22: {  	[simem:s7], [sflag:s8] =	dma.local @!p0 [hbm:s6], $0xF7A  }
0x23: {  	s9 =	sor.u32 $0xD0000000, s2;
	s6 =	simm.s32 $0x108;
	_ =	swait.ge @!p0 [sflag:s8], $0x0  }
0x24: {  	s3 =	sadd.s32 $0x88, s3;
	s6 =	simm.s32 @!p1 $0x1082;
	[sflag:s4] =	ssyncset.s32 $0xFFFFF086  }
0x25: {  	[simem:s6], [sflag:s4] =	dma.local [hbm:s3], $0xF7A  }
0x26: {  	[smem:$0x3F9D] =	sst s1;
	(tag) =	ssettag s2;
	_ =	strace s9  }
0x27: {  	s1 =	sld [smem:$0x3FAD]  }
0x28: {  	s2 =	sld [smem:$0x3FAE]  }
0x29: {  	s4 =	sld [smem:$0x3FB0]  }
0x2a: {  	p0 =	seq.s32 s5, $0x0;
	s5 =	sld [smem:$0x3FB1]  }
0x2b: {  	s6 =	sld [smem:$0x3FB2]  }
0x2c: {  	s7 =	sld [smem:$0x3FB3]  }
0x2d: {  	s3 =	simm.s32 $0x108;
	s8 =	sld [smem:$0x3FB4]  }
0x2e: {  	s3 =	simm.s32 @!p0 $0x1082;
	s9 =	sld [smem:$0x3FB5]  }
0x2f: {  	lr =	sadd.s32 s0, s3;
	s0 =	sld [smem:$0x3FAC]  }
0x30: {  	s3 =	sld [smem:$0x3FAF]  }
0x31: {  	[smem:$0x3FB8] =	sst s10  }
0x32: {  	s10 =	sld [smem:$0x3FB6];
	_ =	sdelay $0x3  }
0x33: {  	p0 =	seq.s32 s10, $0x1;
	s10 =	sld [smem:$0x3FB8];
	_ =	sdelay $0x3  }
0x34: {  	[smem:$0x3FB8] =	sst s10  }
0x35: {  	s10 =	sld [smem:$0x3FB7];
	_ =	sdelay $0x3  }
0x36: {  	p1 =	seq.s32 s10, $0x1;
	s10 =	sld [smem:$0x3FB8];
	_ =	sdelay $0x3  }
0x37: {  	[smem:$0x3FB8] =	sst s10  }
0x38: {  	s10 =	sld [smem:$0x3FB9]  }
0x39: {  	_ = 	snop;
	(pc) =	sbr.ind lr, $3  }
0x3a: {  	_ = 	snop  }
0x3b: {  	_ = 	snop  }
0x3c: {  	p2 =	seq.s32 s10, $0x1;
	s10 =	sld [smem:$0x3FB8]  }
0x3d: {  	_ =	shalt  }
0x3e: {  	_ =	shalt  }
0x3f: {  	_ =	shalt  }
0x40: {  	_ =	shalt  }
0x41: {  	_ =	shalt  }
0x42: {  	_ =	shalt  }
0x43: {  	_ =	shalt  }
0x44: {  	_ =	shalt  }
0x45: {  	_ =	shalt  }
0x46: {  	_ =	shalt  }
0x47: {  	_ =	shalt  }
0x48: {  	_ =	shalt  }
0x49: {  	_ =	shalt  }
0x4a: {  	_ =	shalt  }
0x4b: {  	_ =	shalt  }
0x4c: {  	_ =	shalt  }
0x4d: {  	_ =	shalt  }
0x4e: {  	_ =	shalt  }
0x4f: {  	_ =	shalt  }
0x50: {  	_ =	shalt  }
0x51: {  	_ =	shalt  }
0x52: {  	_ =	shalt  }
0x53: {  	_ =	shalt  }
0x54: {  	_ =	shalt  }
0x55: {  	_ =	shalt  }
0x56: {  	_ =	shalt  }
0x57: {  	_ =	shalt  }
0x58: {  	_ =	shalt  }
0x59: {  	_ =	shalt  }
0x5a: {  	_ =	shalt  }
0x5b: {  	_ =	shalt  }
0x5c: {  	_ =	shalt  }
0x5d: {  	_ =	shalt  }
0x5e: {  	_ =	shalt  }
0x5f: {  	_ =	shalt  }
0x60: {  	_ =	shalt  }
0x61: {  	_ =	shalt  }
0x62: {  	_ =	shalt  }
0x63: {  	_ =	shalt  }
0x64: {  	_ =	shalt  }
0x65: {  	_ =	shalt  }
0x66: {  	_ =	shalt  }
0x67: {  	_ =	shalt  }
0x68: {  	_ =	shalt  }
0x69: {  	_ =	shalt  }
0x6a: {  	_ =	shalt  }
0x6b: {  	_ =	shalt  }
0x6c: {  	_ =	shalt  }
0x6d: {  	_ =	shalt  }
0x6e: {  	_ =	shalt  }
0x6f: {  	_ =	shalt  }
0x70: {  	_ =	shalt  }
0x71: {  	_ =	shalt  }
0x72: {  	_ =	shalt  }
0x73: {  	_ =	shalt  }
0x74: {  	_ =	shalt  }
0x75: {  	_ =	shalt  }
0x76: {  	_ =	shalt  }
0x77: {  	_ =	shalt  }
0x78: {  	_ =	shalt  }
0x79: {  	_ =	shalt  }
0x7a: {  	_ =	shalt  }
0x7b: {  	_ =	shalt  }
0x7c: {  	_ =	shalt  }
0x7d: {  	_ =	shalt  }
0x7e: {  	_ =	shalt  }
0x7f: {  	_ =	shalt  }
0x80: {  	_ =	shalt  }
0x81: {  	_ =	shalt  }
0x82: {  	_ =	shalt  }
0x83: {  	_ =	shalt  }
0x84: {  	_ =	shalt  }
0x85: {  	_ =	shalt  }
0x86: {  	_ =	shalt  }
0x87: {  	_ =	shalt  }
.Lfunc_end0:
.L_simem_size_0:
called_computation_lowered:
.L_overlay_start_0:
0x88: {  	s2 =	sld [smem:$0x3FD9]  }
0x89: {  	s3 =	sld [smem:$0x3FFE];
	_ =	sdelay $0x1  }
0x8a: {  	s1 =	srdreg.scid  }
0x8b: {  	s0 =	sand.u32 $0x1, s1  }
0x8c: {  	s17 =	sshll.u32 s0, $0xA;
	s2 =	sadd.s32 s3, s2  }
0x8d: {  	s2 =	sadd.s32 s2, s17  }
0x8e: {  	[smem:$0x3FC4] =	sst s2  }
0x8f: {  	_ = 	snop  }
0x90: {  	s2 =	sld [smem:$0x3FD0];
	(tm) =	ssettm $0x1  }
0x91: {  	s18 =	sld [smem:$0x3FFB];
	_ =	sdelay $0x3  }
0x92: {  	_ =	strace s18  }
0x93: {  	s3 =	sld [smem:$0x3FFC];
	_ =	sdelay $0x3  }
0x94: {  	_ =	strace s3  }
0x95: {  	s3 =	sld [smem:$0x3FFD];
	_ =	sdelay $0x3  }
0x96: {  	_ =	strace s3  }
0x97: {  	_ =	strace $0x8FFFFFFF  }
0x98: {  	s19 =	sld [smem:$0x3FDB];
	_ =	sdelay $0x1  }
0x99: {  	s4 =	simm.s32 $_scs_section_size  }
0x9a: {  	s5 =	simm.s32 $_size__tile_overlayer_lowered;
	s6 =	simm.s32 $_tile_overlayer_lowered  }
0x9b: {  	s22 =	simm.s32 $0x1BFF;
	s21 =	sshll.u32 s6, $0x1;
	s3 =	sadd.s32 s4, s19  }
0x9c: {  	s7 =	simm.s32 $0x0;
	s20 =	sshll.u32 s5, $0x1;
	s5 =	sadd.s32 s21, s3  }
0x9d: {  	[timem:s7], [sflag:s22] =	dma.local [hbm:s5], s20  }
0x9e: {  	_ =	swait.ge [sflag:s22], s20  }
0x9f: {  	s4 =	ssub.s32 $0x0, s20;
	[sflag:s22] =	ssyncset.done $0x0  }
0xa0: {  	[sflag:s22] =	ssyncadd.s32 s4;
	_ =	sdelay $0x1  }
0xa1: {  	s23 =	simm.s32 $0x1B8B  }
0xa2: {  	_ =	swait.ge [sflag:s23], $0x1  }
0xa3: {  	[sflag:s23] =	ssyncset.done $0x0  }
0xa4: {  	s25 =	simm.s32 $0x1B8E;
	s24 =	sld [smem:$0x3FFE];
	[sflag:s23] =	ssyncadd.s32 $0xFFFFFFFF  }
0xa5: {  	s26 =	simm.s32 $execute0_lowered;
	[smem:$0x3FD2] =	sst s25  }
0xa6: {  	s5 =	sshll.u32 s26, $0x1;
	_ =	strace $0x80000046;
	[dreg:$0x1] =	wrdreg $0xFFFFFFFF  }
0xa7: {  	s28 =	simm.s32 $_size_execute0_lowered;
	s3 =	sadd.s32 s3, s5;
	[dreg:$0x0] =	wrdreg $0x0  }
0xa8: {  	s5 =	sshll.u32 s28, $0x1;
	[dreg:$0x2] =	wrdreg s3  }
0xa9: {  	[dreg:$0x3] =	wrdreg s5  }
0xaa: {  	[dreg:$0x4] =	wrdreg $0xC0  }
0xab: {  	_ =	task [dreg:s7], $0x5FFFF  }
0xac: {  	[dreg:$0x1] =	wrdreg $0xFFFFFFFF  }
0xad: {  	[dreg:$0x0] =	wrdreg $0x60  }
0xae: {  	[dreg:$0x2] =	wrdreg s24  }
0xaf: {  	[dreg:$0x3] =	wrdreg s2  }
0xb0: {  	[dreg:$0x4] =	wrdreg $0x0  }
0xb1: {  	[dreg:$0x5] =	wrdreg $0x9  }
0xb2: {  	_ =	task.clear_ibuf [dreg:s7], $0x6FFFF;
	_ =	strace $0x90000046  }
0xb3: {  	s29 =	simm.s32 $0x9;
	_ =	strace $0x80000048  }
0xb4: {  	_ =	swait.ge [sflag:s29], $0x1  }
0xb5: {  	[sflag:s29] =	ssyncadd.s32 $0xFFFFFFFF  }
0xb6: {  	_ =	strace $0x90000048  }
0xb7: {  	_ =	sfence  }
0xb8: {  	s30 =	sld [smem:$0x0];
	_ =	sdelay $0x2  }
0xb9: {  	s31 =	sshll.u32 s1, $0xD;
	s1 =	sshrl.u32 s1, $0x2  }
0xba: {  	s3 =	sand.u32 $0x4000, s31;
	s1 =	sadd.s32 s1, s30  }
0xbb: {  	s0 =	sor.u32 s3, s0;
	s1 =	sshll.u32 s1, $0x11  }
0xbc: {  	s0 =	sor.u32 s1, s0  }
0xbd: {  	s0 =	sadd.s32 $0x8F2B, s0  }
0xbe: {  	[sflag:s0] =	ssyncadd.remote.s32 $0x1  }
0xbf: {  	_ =	sfence.sel $0xFFFF  }
0xc0: {  	[dreg:$0x0] =	wrdreg $0xFFFFFFFF;
	(pc) =	sbr.abs _section_cstart, $3  }
0xc1: {  	[dreg:$0x1] =	wrdreg $0xFFFFFFFF  }
0xc2: {  	_ =	task.clear_ibuf [dreg:s7], $0x2FFFF;
	_ =	strace $0x9FFFFFFF  }
0xc3: {  	(tm) =	ssettm $0x7FFFFFFF  }
tec
execute0_lowered:
.L_overlay_start_1:
0x0: {  	(tag) =	ssettag $0x1  }
0x1: {  	s0 =	rddreg [dreg:$0x0]  }
0x2: {  	s10 =	rddreg [dreg:$0x2];
	s3 =	simm.s32 $0x0  }
0x3: {  	s1 =	srdreg.scid;
	s2 =	stileid.u32;
	s28 =	simm.s32 $0x400  }
0x4: {  	s29 =	simm.s32 $0x8000;
	s30 =	simm.s32 $0x5;
	s31 =	simm.s32 $0x13000  }
0x5: {  	[smem:$0x7FF] =	sst s3;
	s1 =	sand.u32 $0x1, s1;
	s5 =	sshll.u32 s2, $0x1  }
0x6: {  	s4 =	sadd.s32 $0x1800, s0;
	s25 =	sshll.u32 s2, $0xE;
	s26 =	sshll.u32 s2, $0x7  }
0x7: {  	s16 =	sshll.u32 s2, $0x8;
	s17 =	sshll.u32 s2, $0xD;
	p0 =	sne.s32 s2, $0x0  }
0x8: {  	_ =	strace $0x80000047;
	s6 =	ssub.s32 $0x2, s1;
	s7 =	sor.u32 s1, s5  }
0x9: {  	s1 =	sshll.u32 s1, $0x4;
	s5 =	sadd.s32 $0x51800, s0;
	s17 =	sadd.s32 s17, s10  }
0xa: {  	s8 =	sshrl.u32 s6, $0x1;
	s9 =	smul.u32 $0x2800, s7;
	s0 =	sadd.s32 s1, s0  }
0xb: {  	s18 =	smul.u32 $0x14, s7;
	s1 =	ssub.s32 s6, s8;
	s6 =	sand.u32 $0x20000, s25  }
0xc: {  	s0 =	sadd.s32 s16, s0;
	s19 =	sadd.s32 s4, s9;
	s20 =	sor.u32 $0x200, s9  }
0xd: {  	s21 =	sadd.s32 s5, s9;
	s11 =	sor.u32 $0x400, s9;
	s12 =	sor.u32 $0x3, s18  }
0xe: {  	s13 =	sadd.s32 $0x4, s18;
	s14 =	sadd.s32 $0x5, s18;
	s15 =	sadd.s32 $0x6, s18  }
0xf: {  	s6 =	sadd.s32 s6, s10;
	s18 =	sadd.s32 $0xA1800, s0;
	[dreg:$0x4] =	wrdreg s19  }
0x10: {  	s0 =	simm.s32 $0x17000;
	[dreg:$0x5] =	wrdreg s21;
	s22 =	sadd.s32 s4, s20  }
0x11: {  	s7 =	sadd.s32 s5, s20;
	s23 =	sadd.s32 s4, s11;
	[dreg:$0x6] =	wrdreg s22  }
0x12: {  	s24 =	sadd.s32 s5, s11;
	s11 =	smov.u32 s10;
	[dreg:$0x7] =	wrdreg s7  }
0x13: {  	s19 =	smax.u32 s1, $0x1;
	s1 =	simm.s32 $0x1;
	[dreg:$0x8] =	wrdreg s23  }
0x14: {  	s20 =	simm.s32 $0xC000;
	s21 =	simm.s32 $0x2;
	[dreg:$0x9] =	wrdreg s24  }
0x15: {  	s7 =	sand.u32 $0x380, s26;
	s26 =	simm.s32 $0x80;
	s22 =	simm.s32 $0x3  }
0x16: {  	v0 =	vimm.f32 $0.0e+00;
	s23 =	simm.s32 $0x4;
	s24 =	simm.s32 $0x0;
	s16 =	sadd.s32 s7, s6  }
.LBB2_1:
0x17: {  	s2 =	rddreg [dreg:$0x4]  }
0x18: {  	s6 =	simm.s32 $0x10000;
	s8 =	rddreg [dreg:$0x5]  }
0x19: {  	[tilespmem:s6], [sflag:$0x1] =	stream.linear.gather [hbm4b:s2+s3], $0x1000, $0x38;
	[tilespmem:$0x18000] =	vst v63  }
0x1a: {  	s9 =	simm.s32 $0x14000;
	s10 =	rddreg [dreg:$0x6]  }
0x1b: {  	[tilespmem:s9], [sflag:$0x1] =	stream.linear.gather [hbm4b:s8+s3], $0x1000, $0x38;
	[tilespmem:$0x18000] =	vst v63  }
0x1c: {  	s25 =	simm.s32 $0x11000;
	s6 =	rddreg [dreg:$0x7]  }
0x1d: {  	[tilespmem:s25], [sflag:$0x2] =	stream.linear.gather [hbm4b:s10+s3], $0x1000, $0x38;
	[tilespmem:$0x18000] =	vst v63  }
0x1e: {  	s7 =	simm.s32 $0x15000;
	s8 =	rddreg [dreg:$0x8]  }
0x1f: {  	[tilespmem:s7], [sflag:$0x2] =	stream.linear.gather [hbm4b:s6+s3], $0x1000, $0x38;
	[tilespmem:$0x18000] =	vst v63  }
0x20: {  	s2 =	sshrl.u32 @!p0 s11, $0x3;
	s9 =	simm.s32 $0x12000;
	s10 =	rddreg [dreg:$0x9]  }
0x21: {  	[tilespmem:s9], [sflag:$0x3] =	stream.linear.gather [hbm4b:s8+s3], $0x1000, $0x38;
	[tilespmem:$0x18000] =	vst v63  }
0x22: {  	s25 =	simm.s32 $0x16000;
	s6 =	simm.s32 @!p0 $0x1;
	s7 =	simm.s32 @!p0 $0x80  }
0x23: {  	[tilespmem:s25], [sflag:$0x3] =	stream.linear.gather [hbm4b:s10+s3], $0x1000, $0x38;
	[tilespmem:$0x18000] =	vst v63  }
0x24: {  	s8 =	simm.s32 @!p0 $0x1C05;
	s9 =	rddreg [dreg:$0x1];
	s25 =	simm.s32 @!p0 $0x10  }
0x25: {  	[spmem:s2@s7], [sflag:s8] =	dma.strided @!p0 [hbm:s9@s25], $0x800, s6, $0x10   }
0x26: {  	s2 =	simm.s32 @!p0 $0x5  }
0x27: {  	_ =	swait.ge @!p0 [sflag:s2], $0x800  }
0x28: {  	[sflag:s2] =	ssyncset.done @!p0 $0x0  }
0x29: {  	[sflag:s2] =	ssyncadd.s32 @!p0 $0xFFFFF800;
	s2 =	simm.s32 $0xC040  }
0x2a: {  	[tilespmem:s2+$0xFFFFFFC0] =	vst v0  }
0x2b: {  	[tilespmem:s2+$0x30] =	vst v0  }
0x2c: {  	[tilespmem:s2+$0x20] =	vst v0  }
0x2d: {  	[tilespmem:s2+$0x10] =	vst v0  }
0x2e: {  	[tilespmem:s2+$0x0] =	vst v0  }
0x2f: {  	[tilespmem:s2+$0xFFFFFFF0] =	vst v0  }
0x30: {  	s6 =	simm.s32 $0x0;
	[tilespmem:s2+$0xFFFFFFE0] =	vst v0  }
.LBB2_2:
0x31: {  	s6 =	sadd.s32 $0x8, s6;
	[tilespmem:s2+$0xFFFFFFD0] =	vst v0;
	s2 =	sadd.s32 $0x80, s2  }
0x32: {  	[tilespmem:s2+$0xFFFFFFC0] =	vst v0;
	p1 =	slt.u32 s6, $0x3F8  }
0x33: {  	[tilespmem:s2+$0x30] =	vst v0  }
.Ltmp0:
0x34: {  	[tilespmem:s2+$0x20] =	vst v0;
	(pc) =	sbr.rel @p1 .LBB2_2-.Ltmp0, $4  }
0x35: {  	[tilespmem:s2+$0x10] =	vst v0  }
0x36: {  	[tilespmem:s2+$0x0] =	vst v0  }
0x37: {  	[tilespmem:s2+$0xFFFFFFF0] =	vst v0  }
0x38: {  	[tilespmem:s2+$0xFFFFFFE0] =	vst v0  }
0x39: {  	[tilespmem:s2+$0xFFFFFFD0] =	vst v0  }
0x3a: {  	[bflag:$0x0] =	sbarrier.arrive $0xFFFF  }
0x3b: {  	[tilespmem:s29], [sflag:$0x5] =	stream.strided.gather [spmem:s11], $0x4000, s28, s26, $0x38;
	[tilespmem:$0x18000] =	vst v63  }
0x3c: {  	_ =	swait.ge [sflag:s30], $0x4000  }
0x3d: {  	[sflag:s30] =	ssyncset.done $0x0  }
0x3e: {  	[sflag:s30] =	ssyncadd.s32 $0xFFFFC000  }
0x3f: {  	s25 =	simm.s32 $0x0;
	s2 =	simm.s32 $0x0;
	[bflag:$0x0] =	sbarrier.arrive $0xFFFF  }
.LBB2_4:
0x40: {  	s6 =	sshll.u32 s2, $0x2  }
0x41: {  	s7 =	sadd.s32 s6, s12  }
0x42: {  	s7 =	sshll.u32 s7, $0x9  }
0x43: {  	s7 =	sand.u32 $0x1FFFFE00, s7  }
0x44: {  	s8 =	sadd.s32 s4, s7  }
0x45: {  	[tilespmem:s31], [sflag:$0x4] =	stream.linear.gather [hbm4b:s8+s25], $0x1000, $0x38;
	[tilespmem:$0x18000] =	vst v63  }
0x46: {  	s7 =	sadd.s32 s5, s7  }
0x47: {  	[tilespmem:s0], [sflag:$0x4] =	stream.linear.gather [hbm4b:s7+s25], $0x1000, $0x38;
	[tilespmem:$0x18000] =	vst v63  }
0x48: {  	_ =	swait.ge [sflag:s1], $0x1000  }
0x49: {  	[sflag:s1] =	ssyncset.done $0x0  }
0x4a: {  	[sflag:s1] =	ssyncadd.s32 $0xFFFFF000  }
0x4b: {  	_ =	swait.ge [sflag:s1], $0x1000  }
0x4c: {  	[sflag:s1] =	ssyncset.done $0x0  }
0x4d: {  	s10 =	simm.s32 $0x0;
	[sflag:s1] =	ssyncadd.s32 $0xFFFFF000  }
0x4e: {  	v14 =	vld [tilespmem:s10+$0x14010]  }
0x4f: {  	v13 =	vld [tilespmem:s10+$0x14070]  }
0x50: {  	v9 =	vld [tilespmem:s10+$0x14030]  }
0x51: {  	v15 =	vld [tilespmem:s10+$0x14020]  }
0x52: {  	v7 =	vld [tilespmem:s10+$0x10040]  }
0x53: {  	v2 =	vld [tilespmem:s10+$0x10030]  }
0x54: {  	v8 =	vld [tilespmem:s10+$0x10060]  }
0x55: {  	v1 =	vld [tilespmem:s10+$0x10070]  }
0x56: {  	v10 =	vld [tilespmem:s10+$0x10050]  }
0x57: {  	v4 =	vld [tilespmem:s10+$0x10020]  }
0x58: {  	v5 =	vld [tilespmem:s10+$0x10010]  }
0x59: {  	v11 =	vld [tilespmem:s10+$0x10000];
	v12 =	vand.u32 $0x3FFF, v2  }
0x5a: {  	v16 =	vld [tilespmem:s10+$0x14000];
	v17 =	vand.u32 $0x3FFF, v1  }
0x5b: {  	v18 =	vld [tilespmem:s10+$0x14050];
	v19 =	vand.u32 $0x3FFF, v7  }
0x5c: {  	v20 =	vld [tilespmem:s10+$0x14060];
	v21 =	vand.u32 $0x3FFF, v8  }
0x5d: {  	v22 =	vld [tilespmem:s10+$0x14040];
	v1 =	vshrl.u32 v1, $0xE  }
0x5e: {  	v2 =	vshrl.u32 v2, $0xE;
	v23 =	vld.idx.msk [tilespmem:v12+s29+$0x0], $0xffff  }
0x5f: {  	v3 =	vshrl.u32 v5, $0xE;
	v24 =	vld.idx.msk [tilespmem:v17+s29+$0x0], $0xffff  }
0x60: {  	v25 =	vand.u32 $0x3FFF, v4;
	v26 =	vld.idx.msk [tilespmem:v19+s29+$0x0], $0xffff  }
0x61: {  	v6 =	vshrl.u32 v11, $0xE;
	v27 =	vld.idx.msk [tilespmem:v21+s29+$0x0], $0xffff  }
0x62: {  	v29 =	vand.u32 $0x3FFF, v5;
	v28 =	vld.idx.msk [tilespmem:v1+s29+$0x0], $0xffff  }
0x63: {  	v4 =	vshrl.u32 v4, $0xE;
	v30 =	vld.idx.msk [tilespmem:v2+s29+$0x0], $0xffff  }
0x64: {  	v5 =	vshrl.u32 v10, $0xE;
	v31 =	vld.idx.msk [tilespmem:v3+s29+$0x0], $0xffff  }
0x65: {  	v7 =	vshrl.u32 v7, $0xE;
	v32 =	vld.idx.msk [tilespmem:v25+s29+$0x0], $0xffff  }
0x66: {  	v8 =	vshrl.u32 v8, $0xE;
	v33 =	vld.idx.msk [tilespmem:v6+s29+$0x0], $0xffff  }
0x67: {  	v35 =	vand.u32 $0x3FFF, v10;
	v34 =	vld.idx.msk [tilespmem:v29+s29+$0x0], $0xffff  }
0x68: {  	v11 =	vand.u32 $0x3FFF, v11;
	v10 =	vld.idx.msk [tilespmem:v4+s29+$0x0], $0xffff  }
0x69: {  	v36 =	vld.idx.msk [tilespmem:v5+s29+$0x0], $0xffff  }
0x6a: {  	v37 =	vld.idx.msk [tilespmem:v7+s29+$0x0], $0xffff  }
0x6b: {  	v38 =	vld.idx.msk [tilespmem:v8+s29+$0x0], $0xffff  }
0x6c: {  	v39 =	vld.idx.msk [tilespmem:v35+s29+$0x0], $0xffff;
	v33 =	vmul.f32 v33, v16  }
0x6d: {  	v40 =	vld.idx.msk [tilespmem:v11+s29+$0x0], $0xffff;
	v31 =	vmul.f32 v31, v14  }
0x6e: {  	[tilespmem:v11+s20+$0x0] =	vst.idx.add.f32.msk $0xffff, v33;
	v11 =	vmul.f32 v10, v15  }
0x6f: {  	v30 =	vmul.f32 v30, v9;
	[tilespmem:v29+s20+$0x0] =	vst.idx.add.f32.msk $0xffff, v31  }
0x70: {  	v62 =	vmul.f32 v36, v18;
	[tilespmem:v25+s20+$0x0] =	vst.idx.add.f32.msk $0xffff, v11;
	v11 =	vmul.f32 v37, v22  }
0x71: {  	v63 =	vmul.f32 v28, v13;
	v14 =	vmul.f32 v34, v14;
	[tilespmem:v12+s20+$0x0] =	vst.idx.add.f32.msk $0xffff, v30  }
0x72: {  	v16 =	vmul.f32 v40, v16;
	[tilespmem:v19+s20+$0x0] =	vst.idx.add.f32.msk $0xffff, v11;
	v19 =	vmul.f32 v38, v20  }
0x73: {  	v10 =	vmul.f32 v23, v9;
	v9 =	vmul.f32 v24, v13;
	[tilespmem:v35+s20+$0x0] =	vst.idx.add.f32.msk $0xffff, v62  }
0x74: {  	v13 =	vmul.f32 v32, v15;
	v15 =	vmul.f32 v39, v18;
	[tilespmem:v21+s20+$0x0] =	vst.idx.add.f32.msk $0xffff, v19  }
0x75: {  	s7 =	simm.s32 $0x200;
	v12 =	vmul.f32 v26, v22;
	v11 =	vmul.f32 v27, v20;
	[tilespmem:v17+s20+$0x0] =	vst.idx.add.f32.msk $0xffff, v63  }
.LBB2_5:
0x76: {  	s8 =	sshra.s32 s7, $0x2;
	p1 =	sne.s32 s7, $0x3E00;
	s7 =	sadd.s32 $0x200, s7;
	[tilespmem:v6+s20+$0x0] =	vst.idx.add.f32.msk $0xffff, v16  }
0x77: {  	[tilespmem:v3+s20+$0x0] =	vst.idx.add.f32.msk $0xffff, v14  }
0x78: {  	[tilespmem:v4+s20+$0x0] =	vst.idx.add.f32.msk $0xffff, v13  }
0x79: {  	[tilespmem:v2+s20+$0x0] =	vst.idx.add.f32.msk $0xffff, v10  }
0x7a: {  	[tilespmem:v7+s20+$0x0] =	vst.idx.add.f32.msk $0xffff, v12  }
0x7b: {  	[tilespmem:v5+s20+$0x0] =	vst.idx.add.f32.msk $0xffff, v15  }
0x7c: {  	[tilespmem:v8+s20+$0x0] =	vst.idx.add.f32.msk $0xffff, v11  }
0x7d: {  	[tilespmem:v1+s20+$0x0] =	vst.idx.add.f32.msk $0xffff, v9  }
0x7e: {  	v14 =	vld [tilespmem:s8+$0x14010]  }
0x7f: {  	v13 =	vld [tilespmem:s8+$0x14070]  }
0x80: {  	v15 =	vld [tilespmem:s8+$0x14030]  }
0x81: {  	v16 =	vld [tilespmem:s8+$0x14020]  }
0x82: {  	v5 =	vld [tilespmem:s8+$0x10040]  }
0x83: {  	v2 =	vld [tilespmem:s8+$0x10030]  }
0x84: {  	v8 =	vld [tilespmem:s8+$0x10060]  }
0x85: {  	v1 =	vld [tilespmem:s8+$0x10070]  }
0x86: {  	v11 =	vld [tilespmem:s8+$0x10050]  }
0x87: {  	v6 =	vld [tilespmem:s8+$0x10020]  }
0x88: {  	v7 =	vld [tilespmem:s8+$0x10010]  }
0x89: {  	v18 =	vand.u32 $0x3FFF, v2;
	v17 =	vld [tilespmem:s8+$0x10000]  }
0x8a: {  	v19 =	vld [tilespmem:s8+$0x14000];
	v20 =	vand.u32 $0x3FFF, v1  }
0x8b: {  	v22 =	vand.u32 $0x3FFF, v5;
	v21 =	vld [tilespmem:s8+$0x14050]  }
0x8c: {  	v24 =	vand.u32 $0x3FFF, v8;
	v23 =	vld [tilespmem:s8+$0x14060]  }
0x8d: {  	v1 =	vshrl.u32 v1, $0xE;
	v25 =	vld [tilespmem:s8+$0x14040]  }
0x8e: {  	v2 =	vshrl.u32 v2, $0xE;
	v9 =	vld.idx.msk [tilespmem:v18+s29+$0x0], $0xffff  }
0x8f: {  	v4 =	vshrl.u32 v6, $0xE;
	v3 =	vshrl.u32 v7, $0xE;
	v12 =	vld.idx.msk [tilespmem:v20+s29+$0x0], $0xffff  }
0x90: {  	v26 =	vand.u32 $0x3FFF, v6;
	v27 =	vld.idx.msk [tilespmem:v22+s29+$0x0], $0xffff  }
0x91: {  	v6 =	vshrl.u32 v17, $0xE;
	v28 =	vld.idx.msk [tilespmem:v24+s29+$0x0], $0xffff  }
0x92: {  	v30 =	vand.u32 $0x3FFF, v7;
	v29 =	vld.idx.msk [tilespmem:v1+s29+$0x0], $0xffff  }
0x93: {  	v7 =	vshrl.u32 v5, $0xE;
	v31 =	vld.idx.msk [tilespmem:v2+s29+$0x0], $0xffff  }
0x94: {  	v5 =	vshrl.u32 v11, $0xE;
	v10 =	vmul.f32 v9, v15;
	v32 =	vld.idx.msk [tilespmem:v3+s29+$0x0], $0xffff  }
0x95: {  	v9 =	vmul.f32 v12, v13;
	v33 =	vld.idx.msk [tilespmem:v26+s29+$0x0], $0xffff  }
0x96: {  	v8 =	vshrl.u32 v8, $0xE;
	v12 =	vmul.f32 v27, v25;
	v34 =	vld.idx.msk [tilespmem:v6+s29+$0x0], $0xffff  }
0x97: {  	v35 =	vand.u32 $0x3FFF, v11;
	v11 =	vmul.f32 v28, v23;
	v27 =	vld.idx.msk [tilespmem:v30+s29+$0x0], $0xffff  }
0x98: {  	v17 =	vand.u32 $0x3FFF, v17;
	v29 =	vmul.f32 v29, v13;
	v28 =	vld.idx.msk [tilespmem:v4+s29+$0x0], $0xffff  }
0x99: {  	v15 =	vmul.f32 v31, v15;
	v36 =	vld.idx.msk [tilespmem:v5+s29+$0x0], $0xffff  }
0x9a: {  	v32 =	vmul.f32 v32, v14;
	v31 =	vld.idx.msk [tilespmem:v7+s29+$0x0], $0xffff  }
0x9b: {  	v13 =	vmul.f32 v33, v16;
	v37 =	vld.idx.msk [tilespmem:v8+s29+$0x0], $0xffff  }
0x9c: {  	v34 =	vmul.f32 v34, v19;
	v33 =	vld.idx.msk [tilespmem:v35+s29+$0x0], $0xffff  }
0x9d: {  	v14 =	vmul.f32 v27, v14;
	v38 =	vld.idx.msk [tilespmem:v17+s29+$0x0], $0xffff  }
0x9e: {  	v16 =	vmul.f32 v28, v16;
	[tilespmem:v17+s20+$0x0] =	vst.idx.add.f32.msk $0xffff, v34  }
0x9f: {  	v17 =	vmul.f32 v36, v21;
	[tilespmem:v30+s20+$0x0] =	vst.idx.add.f32.msk $0xffff, v32  }
0xa0: {  	[tilespmem:v26+s20+$0x0] =	vst.idx.add.f32.msk $0xffff, v16;
	v16 =	vmul.f32 v31, v25  }
.Ltmp1:
0xa1: {  	[tilespmem:v18+s20+$0x0] =	vst.idx.add.f32.msk $0xffff, v15;
	(pc) =	sbr.rel @p1 .LBB2_5-.Ltmp1, $4  }
0xa2: {  	v18 =	vmul.f32 v37, v23;
	v15 =	vmul.f32 v33, v21;
	[tilespmem:v22+s20+$0x0] =	vst.idx.add.f32.msk $0xffff, v16  }
0xa3: {  	v16 =	vmul.f32 v38, v19;
	[tilespmem:v35+s20+$0x0] =	vst.idx.add.f32.msk $0xffff, v17  }
0xa4: {  	[tilespmem:v24+s20+$0x0] =	vst.idx.add.f32.msk $0xffff, v18  }
0xa5: {  	[tilespmem:v20+s20+$0x0] =	vst.idx.add.f32.msk $0xffff, v29  }
0xa6: {  	_ =	sdelay $0x3  }
0xa7: {  	[tilespmem:v6+s20+$0x0] =	vst.idx.add.f32.msk $0xffff, v16  }
0xa8: {  	[tilespmem:v3+s20+$0x0] =	vst.idx.add.f32.msk $0xffff, v14  }
0xa9: {  	[tilespmem:v4+s20+$0x0] =	vst.idx.add.f32.msk $0xffff, v13  }
0xaa: {  	p1 =	seq.s32 s2, $0x4;
	[tilespmem:v2+s20+$0x0] =	vst.idx.add.f32.msk $0xffff, v10  }
0xab: {  	s7 =	sadd.s32 @!p1 s6, s13;
	[tilespmem:v7+s20+$0x0] =	vst.idx.add.f32.msk $0xffff, v12  }
0xac: {  	s7 =	sshll.u32 @!p1 s7, $0x9;
	[tilespmem:v5+s20+$0x0] =	vst.idx.add.f32.msk $0xffff, v15  }
0xad: {  	s7 =	sand.u32 @!p1 $0x1FFFF800, s7;
	[tilespmem:v8+s20+$0x0] =	vst.idx.add.f32.msk $0xffff, v11  }
0xae: {  	s9 =	simm.s32 @!p1 $0x0;
	s10 =	simm.s32 @!p1 $0x10000;
	s8 =	sadd.s32 @!p1 s4, s7;
	[tilespmem:v1+s20+$0x0] =	vst.idx.add.f32.msk $0xffff, v9  }
0xaf: {  	[tilespmem:s10], [sflag:$0x1] =	stream.linear.gather @!p1 [hbm4b:s8+s9], $0x1000, $0x38;
	[tilespmem:$0x18000] =	vst v63  }
0xb0: {  	s7 =	sadd.s32 @!p1 s5, s7;
	s8 =	simm.s32 @!p1 $0x14000  }
0xb1: {  	[tilespmem:s8], [sflag:$0x1] =	stream.linear.gather @!p1 [hbm4b:s7+s9], $0x1000, $0x38;
	[tilespmem:$0x18000] =	vst v63  }
0xb2: {  	_ =	swait.ge [sflag:s21], $0x1000  }
0xb3: {  	[sflag:s21] =	ssyncset.done $0x0  }
0xb4: {  	[sflag:s21] =	ssyncadd.s32 $0xFFFFF000  }
0xb5: {  	_ =	swait.ge [sflag:s21], $0x1000  }
0xb6: {  	[sflag:s21] =	ssyncset.done $0x0  }
0xb7: {  	s10 =	simm.s32 $0x0;
	[sflag:s21] =	ssyncadd.s32 $0xFFFFF000  }
0xb8: {  	v14 =	vld [tilespmem:s10+$0x15010]  }
0xb9: {  	v13 =	vld [tilespmem:s10+$0x15070]  }
0xba: {  	v9 =	vld [tilespmem:s10+$0x15030]  }
0xbb: {  	v15 =	vld [tilespmem:s10+$0x15020]  }
0xbc: {  	v7 =	vld [tilespmem:s10+$0x11040]  }
0xbd: {  	v2 =	vld [tilespmem:s10+$0x11030]  }
0xbe: {  	v8 =	vld [tilespmem:s10+$0x11060]  }
0xbf: {  	v1 =	vld [tilespmem:s10+$0x11070]  }
0xc0: {  	v10 =	vld [tilespmem:s10+$0x11050]  }
0xc1: {  	v4 =	vld [tilespmem:s10+$0x11020]  }
0xc2: {  	v5 =	vld [tilespmem:s10+$0x11010]  }
0xc3: {  	v11 =	vld [tilespmem:s10+$0x11000];
	v12 =	vand.u32 $0x3FFF, v2  }
0xc4: {  	v16 =	vld [tilespmem:s10+$0x15000];
	v17 =	vand.u32 $0x3FFF, v1  }
0xc5: {  	v18 =	vld [tilespmem:s10+$0x15050];
	v19 =	vand.u32 $0x3FFF, v7  }
0xc6: {  	v20 =	vld [tilespmem:s10+$0x15060];
	v21 =	vand.u32 $0x3FFF, v8  }
0xc7: {  	v22 =	vld [tilespmem:s10+$0x15040];
	v1 =	vshrl.u32 v1, $0xE  }
0xc8: {  	v2 =	vshrl.u32 v2, $0xE;
	v23 =	vld.idx.msk [tilespmem:v12+s29+$0x0], $0xffff  }
0xc9: {  	v3 =	vshrl.u32 v5, $0xE;
	v24 =	vld.idx.msk [tilespmem:v17+s29+$0x0], $0xffff  }
0xca: {  	v25 =	vand.u32 $0x3FFF, v4;
	v26 =	vld.idx.msk [tilespmem:v19+s29+$0x0], $0xffff  }
0xcb: {  	v6 =	vshrl.u32 v11, $0xE;
	v27 =	vld.idx.msk [tilespmem:v21+s29+$0x0], $0xffff  }
0xcc: {  	v29 =	vand.u32 $0x3FFF, v5;
	v28 =	vld.idx.msk [tilespmem:v1+s29+$0x0], $0xffff  }
0xcd: {  	v4 =	vshrl.u32 v4, $0xE;
	v30 =	vld.idx.msk [tilespmem:v2+s29+$0x0], $0xffff  }
0xce: {  	v5 =	vshrl.u32 v10, $0xE;
	v31 =	vld.idx.msk [tilespmem:v3+s29+$0x0], $0xffff  }
0xcf: {  	v7 =	vshrl.u32 v7, $0xE;
	v32 =	vld.idx.msk [tilespmem:v25+s29+$0x0], $0xffff  }
0xd0: {  	v8 =	vshrl.u32 v8, $0xE;
	v33 =	vld.idx.msk [tilespmem:v6+s29+$0x0], $0xffff  }
0xd1: {  	v35 =	vand.u32 $0x3FFF, v10;
	v34 =	vld.idx.msk [tilespmem:v29+s29+$0x0], $0xffff  }
0xd2: {  	v11 =	vand.u32 $0x3FFF, v11;
	v10 =	vld.idx.msk [tilespmem:v4+s29+$0x0], $0xffff  }
0xd3: {  	v36 =	vld.idx.msk [tilespmem:v5+s29+$0x0], $0xffff  }
0xd4: {  	v37 =	vld.idx.msk [tilespmem:v7+s29+$0x0], $0xffff  }
0xd5: {  	v38 =	vld.idx.msk [tilespmem:v8+s29+$0x0], $0xffff  }
0xd6: {  	v39 =	vld.idx.msk [tilespmem:v35+s29+$0x0], $0xffff;
	v33 =	vmul.f32 v33, v16  }
0xd7: {  	v40 =	vld.idx.msk [tilespmem:v11+s29+$0x0], $0xffff;
	v31 =	vmul.f32 v31, v14  }
0xd8: {  	[tilespmem:v11+s20+$0x0] =	vst.idx.add.f32.msk $0xffff, v33;
	v11 =	vmul.f32 v10, v15  }
0xd9: {  	v30 =	vmul.f32 v30, v9;
	[tilespmem:v29+s20+$0x0] =	vst.idx.add.f32.msk $0xffff, v31  }
0xda: {  	v62 =	vmul.f32 v36, v18;
	[tilespmem:v25+s20+$0x0] =	vst.idx.add.f32.msk $0xffff, v11;
	v11 =	vmul.f32 v37, v22  }
0xdb: {  	v63 =	vmul.f32 v28, v13;
	v14 =	vmul.f32 v34, v14;
	[tilespmem:v12+s20+$0x0] =	vst.idx.add.f32.msk $0xffff, v30  }
0xdc: {  	v16 =	vmul.f32 v40, v16;
	[tilespmem:v19+s20+$0x0] =	vst.idx.add.f32.msk $0xffff, v11;
	v19 =	vmul.f32 v38, v20  }
0xdd: {  	v10 =	vmul.f32 v23, v9;
	v9 =	vmul.f32 v24, v13;
	[tilespmem:v35+s20+$0x0] =	vst.idx.add.f32.msk $0xffff, v62  }
0xde: {  	v13 =	vmul.f32 v32, v15;
	v15 =	vmul.f32 v39, v18;
	[tilespmem:v21+s20+$0x0] =	vst.idx.add.f32.msk $0xffff, v19  }
0xdf: {  	s7 =	simm.s32 $0x200;
	v12 =	vmul.f32 v26, v22;
	v11 =	vmul.f32 v27, v20;
	[tilespmem:v17+s20+$0x0] =	vst.idx.add.f32.msk $0xffff, v63  }
.LBB2_7:
0xe0: {  	s8 =	sshra.s32 s7, $0x2;
	p2 =	sne.s32 s7, $0x3E00;
	s7 =	sadd.s32 $0x200, s7;
	[tilespmem:v6+s20+$0x0] =	vst.idx.add.f32.msk $0xffff, v16  }
0xe1: {  	[tilespmem:v3+s20+$0x0] =	vst.idx.add.f32.msk $0xffff, v14  }
0xe2: {  	[tilespmem:v4+s20+$0x0] =	vst.idx.add.f32.msk $0xffff, v13  }
0xe3: {  	[tilespmem:v2+s20+$0x0] =	vst.idx.add.f32.msk $0xffff, v10  }
0xe4: {  	[tilespmem:v7+s20+$0x0] =	vst.idx.add.f32.msk $0xffff, v12  }
0xe5: {  	[tilespmem:v5+s20+$0x0] =	vst.idx.add.f32.msk $0xffff, v15  }
0xe6: {  	[tilespmem:v8+s20+$0x0] =	vst.idx.add.f32.msk $0xffff, v11  }
0xe7: {  	[tilespmem:v1+s20+$0x0] =	vst.idx.add.f32.msk $0xffff, v9  }
0xe8: {  	v14 =	vld [tilespmem:s8+$0x15010]  }
0xe9: {  	v13 =	vld [tilespmem:s8+$0x15070]  }
0xea: {  	v15 =	vld [tilespmem:s8+$0x15030]  }
0xeb: {  	v16 =	vld [tilespmem:s8+$0x15020]  }
0xec: {  	v5 =	vld [tilespmem:s8+$0x11040]  }
0xed: {  	v2 =	vld [tilespmem:s8+$0x11030]  }
0xee: {  	v8 =	vld [tilespmem:s8+$0x11060]  }
0xef: {  	v1 =	vld [tilespmem:s8+$0x11070]  }
0xf0: {  	v11 =	vld [tilespmem:s8+$0x11050]  }
0xf1: {  	v6 =	vld [tilespmem:s8+$0x11020]  }
0xf2: {  	v7 =	vld [tilespmem:s8+$0x11010]  }
0xf3: {  	v18 =	vand.u32 $0x3FFF, v2;
	v17 =	vld [tilespmem:s8+$0x11000]  }
0xf4: {  	v19 =	vld [tilespmem:s8+$0x15000];
	v20 =	vand.u32 $0x3FFF, v1  }
0xf5: {  	v22 =	vand.u32 $0x3FFF, v5;
	v21 =	vld [tilespmem:s8+$0x15050]  }
0xf6: {  	v24 =	vand.u32 $0x3FFF, v8;
	v23 =	vld [tilespmem:s8+$0x15060]  }
0xf7: {  	v1 =	vshrl.u32 v1, $0xE;
	v25 =	vld [tilespmem:s8+$0x15040]  }
0xf8: {  	v2 =	vshrl.u32 v2, $0xE;
	v9 =	vld.idx.msk [tilespmem:v18+s29+$0x0], $0xffff  }
0xf9: {  	v4 =	vshrl.u32 v6, $0xE;
	v3 =	vshrl.u32 v7, $0xE;
	v12 =	vld.idx.msk [tilespmem:v20+s29+$0x0], $0xffff  }
0xfa: {  	v26 =	vand.u32 $0x3FFF, v6;
	v27 =	vld.idx.msk [tilespmem:v22+s29+$0x0], $0xffff  }
0xfb: {  	v6 =	vshrl.u32 v17, $0xE;
	v28 =	vld.idx.msk [tilespmem:v24+s29+$0x0], $0xffff  }
0xfc: {  	v30 =	vand.u32 $0x3FFF, v7;
	v29 =	vld.idx.msk [tilespmem:v1+s29+$0x0], $0xffff  }
0xfd: {  	v7 =	vshrl.u32 v5, $0xE;
	v31 =	vld.idx.msk [tilespmem:v2+s29+$0x0], $0xffff  }
0xfe: {  	v5 =	vshrl.u32 v11, $0xE;
	v10 =	vmul.f32 v9, v15;
	v32 =	vld.idx.msk [tilespmem:v3+s29+$0x0], $0xffff  }
0xff: {  	v9 =	vmul.f32 v12, v13;
	v33 =	vld.idx.msk [tilespmem:v26+s29+$0x0], $0xffff  }
0x100: {  	v8 =	vshrl.u32 v8, $0xE;
	v12 =	vmul.f32 v27, v25;
	v34 =	vld.idx.msk [tilespmem:v6+s29+$0x0], $0xffff  }
0x101: {  	v35 =	vand.u32 $0x3FFF, v11;
	v11 =	vmul.f32 v28, v23;
	v27 =	vld.idx.msk [tilespmem:v30+s29+$0x0], $0xffff  }
0x102: {  	v17 =	vand.u32 $0x3FFF, v17;
	v29 =	vmul.f32 v29, v13;
	v28 =	vld.idx.msk [tilespmem:v4+s29+$0x0], $0xffff  }
0x103: {  	v15 =	vmul.f32 v31, v15;
	v36 =	vld.idx.msk [tilespmem:v5+s29+$0x0], $0xffff  }
0x104: {  	v32 =	vmul.f32 v32, v14;
	v31 =	vld.idx.msk [tilespmem:v7+s29+$0x0], $0xffff  }
0x105: {  	v13 =	vmul.f32 v33, v16;
	v37 =	vld.idx.msk [tilespmem:v8+s29+$0x0], $0xffff  }
0x106: {  	v34 =	vmul.f32 v34, v19;
	v33 =	vld.idx.msk [tilespmem:v35+s29+$0x0], $0xffff  }
0x107: {  	v14 =	vmul.f32 v27, v14;
	v38 =	vld.idx.msk [tilespmem:v17+s29+$0x0], $0xffff  }
0x108: {  	v16 =	vmul.f32 v28, v16;
	[tilespmem:v17+s20+$0x0] =	vst.idx.add.f32.msk $0xffff, v34  }
0x109: {  	v17 =	vmul.f32 v36, v21;
	[tilespmem:v30+s20+$0x0] =	vst.idx.add.f32.msk $0xffff, v32  }
0x10a: {  	[tilespmem:v26+s20+$0x0] =	vst.idx.add.f32.msk $0xffff, v16;
	v16 =	vmul.f32 v31, v25  }
.Ltmp2:
0x10b: {  	[tilespmem:v18+s20+$0x0] =	vst.idx.add.f32.msk $0xffff, v15;
	(pc) =	sbr.rel @p2 .LBB2_7-.Ltmp2, $4  }
0x10c: {  	v18 =	vmul.f32 v37, v23;
	v15 =	vmul.f32 v33, v21;
	[tilespmem:v22+s20+$0x0] =	vst.idx.add.f32.msk $0xffff, v16  }
0x10d: {  	v16 =	vmul.f32 v38, v19;
	[tilespmem:v35+s20+$0x0] =	vst.idx.add.f32.msk $0xffff, v17  }
0x10e: {  	[tilespmem:v24+s20+$0x0] =	vst.idx.add.f32.msk $0xffff, v18  }
0x10f: {  	[tilespmem:v20+s20+$0x0] =	vst.idx.add.f32.msk $0xffff, v29  }
0x110: {  	_ =	sdelay $0x3  }
0x111: {  	[tilespmem:v6+s20+$0x0] =	vst.idx.add.f32.msk $0xffff, v16  }
0x112: {  	[tilespmem:v3+s20+$0x0] =	vst.idx.add.f32.msk $0xffff, v14  }
0x113: {  	[tilespmem:v4+s20+$0x0] =	vst.idx.add.f32.msk $0xffff, v13  }
0x114: {  	[tilespmem:v2+s20+$0x0] =	vst.idx.add.f32.msk $0xffff, v10  }
0x115: {  	s7 =	sadd.s32 @!p1 s6, s14;
	[tilespmem:v7+s20+$0x0] =	vst.idx.add.f32.msk $0xffff, v12  }
0x116: {  	s7 =	sshll.u32 @!p1 s7, $0x9;
	[tilespmem:v5+s20+$0x0] =	vst.idx.add.f32.msk $0xffff, v15  }
0x117: {  	s7 =	sand.u32 @!p1 $0x1FFFFA00, s7;
	[tilespmem:v8+s20+$0x0] =	vst.idx.add.f32.msk $0xffff, v11  }
0x118: {  	s9 =	simm.s32 @!p1 $0x0;
	s10 =	simm.s32 @!p1 $0x11000;
	s8 =	sadd.s32 @!p1 s4, s7;
	[tilespmem:v1+s20+$0x0] =	vst.idx.add.f32.msk $0xffff, v9  }
0x119: {  	[tilespmem:s10], [sflag:$0x2] =	stream.linear.gather @!p1 [hbm4b:s8+s9], $0x1000, $0x38;
	[tilespmem:$0x18000] =	vst v63  }
0x11a: {  	s7 =	sadd.s32 @!p1 s5, s7;
	s8 =	simm.s32 @!p1 $0x15000  }
0x11b: {  	[tilespmem:s8], [sflag:$0x2] =	stream.linear.gather @!p1 [hbm4b:s7+s9], $0x1000, $0x38;
	[tilespmem:$0x18000] =	vst v63  }
0x11c: {  	_ =	swait.ge [sflag:s22], $0x1000  }
0x11d: {  	[sflag:s22] =	ssyncset.done $0x0  }
0x11e: {  	[sflag:s22] =	ssyncadd.s32 $0xFFFFF000  }
0x11f: {  	_ =	swait.ge [sflag:s22], $0x1000  }
0x120: {  	[sflag:s22] =	ssyncset.done $0x0  }
0x121: {  	s10 =	simm.s32 $0x0;
	[sflag:s22] =	ssyncadd.s32 $0xFFFFF000  }
0x122: {  	v14 =	vld [tilespmem:s10+$0x16010]  }
0x123: {  	v13 =	vld [tilespmem:s10+$0x16070]  }
0x124: {  	v9 =	vld [tilespmem:s10+$0x16030]  }
0x125: {  	v15 =	vld [tilespmem:s10+$0x16020]  }
0x126: {  	v7 =	vld [tilespmem:s10+$0x12040]  }
0x127: {  	v2 =	vld [tilespmem:s10+$0x12030]  }
0x128: {  	v8 =	vld [tilespmem:s10+$0x12060]  }
0x129: {  	v1 =	vld [tilespmem:s10+$0x12070]  }
0x12a: {  	v10 =	vld [tilespmem:s10+$0x12050]  }
0x12b: {  	v4 =	vld [tilespmem:s10+$0x12020]  }
0x12c: {  	v5 =	vld [tilespmem:s10+$0x12010]  }
0x12d: {  	v11 =	vld [tilespmem:s10+$0x12000];
	v12 =	vand.u32 $0x3FFF, v2  }
0x12e: {  	v16 =	vld [tilespmem:s10+$0x16000];
	v17 =	vand.u32 $0x3FFF, v1  }
0x12f: {  	v18 =	vld [tilespmem:s10+$0x16050];
	v19 =	vand.u32 $0x3FFF, v7  }
0x130: {  	v20 =	vld [tilespmem:s10+$0x16060];
	v21 =	vand.u32 $0x3FFF, v8  }
0x131: {  	v22 =	vld [tilespmem:s10+$0x16040];
	v1 =	vshrl.u32 v1, $0xE  }
0x132: {  	v2 =	vshrl.u32 v2, $0xE;
	v23 =	vld.idx.msk [tilespmem:v12+s29+$0x0], $0xffff  }
0x133: {  	v3 =	vshrl.u32 v5, $0xE;
	v24 =	vld.idx.msk [tilespmem:v17+s29+$0x0], $0xffff  }
0x134: {  	v25 =	vand.u32 $0x3FFF, v4;
	v26 =	vld.idx.msk [tilespmem:v19+s29+$0x0], $0xffff  }
0x135: {  	v6 =	vshrl.u32 v11, $0xE;
	v27 =	vld.idx.msk [tilespmem:v21+s29+$0x0], $0xffff  }
0x136: {  	v29 =	vand.u32 $0x3FFF, v5;
	v28 =	vld.idx.msk [tilespmem:v1+s29+$0x0], $0xffff  }
0x137: {  	v4 =	vshrl.u32 v4, $0xE;
	v30 =	vld.idx.msk [tilespmem:v2+s29+$0x0], $0xffff  }
0x138: {  	v5 =	vshrl.u32 v10, $0xE;
	v31 =	vld.idx.msk [tilespmem:v3+s29+$0x0], $0xffff  }
0x139: {  	v7 =	vshrl.u32 v7, $0xE;
	v32 =	vld.idx.msk [tilespmem:v25+s29+$0x0], $0xffff  }
0x13a: {  	v8 =	vshrl.u32 v8, $0xE;
	v33 =	vld.idx.msk [tilespmem:v6+s29+$0x0], $0xffff  }
0x13b: {  	v35 =	vand.u32 $0x3FFF, v10;
	v34 =	vld.idx.msk [tilespmem:v29+s29+$0x0], $0xffff  }
0x13c: {  	v11 =	vand.u32 $0x3FFF, v11;
	v10 =	vld.idx.msk [tilespmem:v4+s29+$0x0], $0xffff  }
0x13d: {  	v36 =	vld.idx.msk [tilespmem:v5+s29+$0x0], $0xffff  }
0x13e: {  	v37 =	vld.idx.msk [tilespmem:v7+s29+$0x0], $0xffff  }
0x13f: {  	v38 =	vld.idx.msk [tilespmem:v8+s29+$0x0], $0xffff  }
0x140: {  	v39 =	vld.idx.msk [tilespmem:v35+s29+$0x0], $0xffff;
	v33 =	vmul.f32 v33, v16  }
0x141: {  	v40 =	vld.idx.msk [tilespmem:v11+s29+$0x0], $0xffff;
	v31 =	vmul.f32 v31, v14  }
0x142: {  	[tilespmem:v11+s20+$0x0] =	vst.idx.add.f32.msk $0xffff, v33;
	v11 =	vmul.f32 v10, v15  }
0x143: {  	v30 =	vmul.f32 v30, v9;
	[tilespmem:v29+s20+$0x0] =	vst.idx.add.f32.msk $0xffff, v31  }
0x144: {  	v62 =	vmul.f32 v36, v18;
	[tilespmem:v25+s20+$0x0] =	vst.idx.add.f32.msk $0xffff, v11;
	v11 =	vmul.f32 v37, v22  }
0x145: {  	v63 =	vmul.f32 v28, v13;
	v14 =	vmul.f32 v34, v14;
	[tilespmem:v12+s20+$0x0] =	vst.idx.add.f32.msk $0xffff, v30  }
0x146: {  	v16 =	vmul.f32 v40, v16;
	[tilespmem:v19+s20+$0x0] =	vst.idx.add.f32.msk $0xffff, v11;
	v19 =	vmul.f32 v38, v20  }
0x147: {  	v10 =	vmul.f32 v23, v9;
	v9 =	vmul.f32 v24, v13;
	[tilespmem:v35+s20+$0x0] =	vst.idx.add.f32.msk $0xffff, v62  }
0x148: {  	v13 =	vmul.f32 v32, v15;
	v15 =	vmul.f32 v39, v18;
	[tilespmem:v21+s20+$0x0] =	vst.idx.add.f32.msk $0xffff, v19  }
0x149: {  	s7 =	simm.s32 $0x200;
	v12 =	vmul.f32 v26, v22;
	v11 =	vmul.f32 v27, v20;
	[tilespmem:v17+s20+$0x0] =	vst.idx.add.f32.msk $0xffff, v63  }
.LBB2_9:
0x14a: {  	s8 =	sshra.s32 s7, $0x2;
	p2 =	sne.s32 s7, $0x3E00;
	s7 =	sadd.s32 $0x200, s7;
	[tilespmem:v6+s20+$0x0] =	vst.idx.add.f32.msk $0xffff, v16  }
0x14b: {  	[tilespmem:v3+s20+$0x0] =	vst.idx.add.f32.msk $0xffff, v14  }
0x14c: {  	[tilespmem:v4+s20+$0x0] =	vst.idx.add.f32.msk $0xffff, v13  }
0x14d: {  	[tilespmem:v2+s20+$0x0] =	vst.idx.add.f32.msk $0xffff, v10  }
0x14e: {  	[tilespmem:v7+s20+$0x0] =	vst.idx.add.f32.msk $0xffff, v12  }
0x14f: {  	[tilespmem:v5+s20+$0x0] =	vst.idx.add.f32.msk $0xffff, v15  }
0x150: {  	[tilespmem:v8+s20+$0x0] =	vst.idx.add.f32.msk $0xffff, v11  }
0x151: {  	[tilespmem:v1+s20+$0x0] =	vst.idx.add.f32.msk $0xffff, v9  }
0x152: {  	v14 =	vld [tilespmem:s8+$0x16010]  }
0x153: {  	v13 =	vld [tilespmem:s8+$0x16070]  }
0x154: {  	v15 =	vld [tilespmem:s8+$0x16030]  }
0x155: {  	v16 =	vld [tilespmem:s8+$0x16020]  }
0x156: {  	v5 =	vld [tilespmem:s8+$0x12040]  }
0x157: {  	v2 =	vld [tilespmem:s8+$0x12030]  }
0x158: {  	v8 =	vld [tilespmem:s8+$0x12060]  }
0x159: {  	v1 =	vld [tilespmem:s8+$0x12070]  }
0x15a: {  	v11 =	vld [tilespmem:s8+$0x12050]  }
0x15b: {  	v6 =	vld [tilespmem:s8+$0x12020]  }
0x15c: {  	v7 =	vld [tilespmem:s8+$0x12010]  }
0x15d: {  	v18 =	vand.u32 $0x3FFF, v2;
	v17 =	vld [tilespmem:s8+$0x12000]  }
0x15e: {  	v19 =	vld [tilespmem:s8+$0x16000];
	v20 =	vand.u32 $0x3FFF, v1  }
0x15f: {  	v22 =	vand.u32 $0x3FFF, v5;
	v21 =	vld [tilespmem:s8+$0x16050]  }
0x160: {  	v24 =	vand.u32 $0x3FFF, v8;
	v23 =	vld [tilespmem:s8+$0x16060]  }
0x161: {  	v1 =	vshrl.u32 v1, $0xE;
	v25 =	vld [tilespmem:s8+$0x16040]  }
0x162: {  	v2 =	vshrl.u32 v2, $0xE;
	v9 =	vld.idx.msk [tilespmem:v18+s29+$0x0], $0xffff  }
0x163: {  	v4 =	vshrl.u32 v6, $0xE;
	v3 =	vshrl.u32 v7, $0xE;
	v12 =	vld.idx.msk [tilespmem:v20+s29+$0x0], $0xffff  }
0x164: {  	v26 =	vand.u32 $0x3FFF, v6;
	v27 =	vld.idx.msk [tilespmem:v22+s29+$0x0], $0xffff  }
0x165: {  	v6 =	vshrl.u32 v17, $0xE;
	v28 =	vld.idx.msk [tilespmem:v24+s29+$0x0], $0xffff  }
0x166: {  	v30 =	vand.u32 $0x3FFF, v7;
	v29 =	vld.idx.msk [tilespmem:v1+s29+$0x0], $0xffff  }
0x167: {  	v7 =	vshrl.u32 v5, $0xE;
	v31 =	vld.idx.msk [tilespmem:v2+s29+$0x0], $0xffff  }
0x168: {  	v5 =	vshrl.u32 v11, $0xE;
	v10 =	vmul.f32 v9, v15;
	v32 =	vld.idx.msk [tilespmem:v3+s29+$0x0], $0xffff  }
0x169: {  	v9 =	vmul.f32 v12, v13;
	v33 =	vld.idx.msk [tilespmem:v26+s29+$0x0], $0xffff  }
0x16a: {  	v8 =	vshrl.u32 v8, $0xE;
	v12 =	vmul.f32 v27, v25;
	v34 =	vld.idx.msk [tilespmem:v6+s29+$0x0], $0xffff  }
0x16b: {  	v35 =	vand.u32 $0x3FFF, v11;
	v11 =	vmul.f32 v28, v23;
	v27 =	vld.idx.msk [tilespmem:v30+s29+$0x0], $0xffff  }
0x16c: {  	v17 =	vand.u32 $0x3FFF, v17;
	v29 =	vmul.f32 v29, v13;
	v28 =	vld.idx.msk [tilespmem:v4+s29+$0x0], $0xffff  }
0x16d: {  	v15 =	vmul.f32 v31, v15;
	v36 =	vld.idx.msk [tilespmem:v5+s29+$0x0], $0xffff  }
0x16e: {  	v32 =	vmul.f32 v32, v14;
	v31 =	vld.idx.msk [tilespmem:v7+s29+$0x0], $0xffff  }
0x16f: {  	v13 =	vmul.f32 v33, v16;
	v37 =	vld.idx.msk [tilespmem:v8+s29+$0x0], $0xffff  }
0x170: {  	v34 =	vmul.f32 v34, v19;
	v33 =	vld.idx.msk [tilespmem:v35+s29+$0x0], $0xffff  }
0x171: {  	v14 =	vmul.f32 v27, v14;
	v38 =	vld.idx.msk [tilespmem:v17+s29+$0x0], $0xffff  }
0x172: {  	v16 =	vmul.f32 v28, v16;
	[tilespmem:v17+s20+$0x0] =	vst.idx.add.f32.msk $0xffff, v34  }
0x173: {  	v17 =	vmul.f32 v36, v21;
	[tilespmem:v30+s20+$0x0] =	vst.idx.add.f32.msk $0xffff, v32  }
0x174: {  	[tilespmem:v26+s20+$0x0] =	vst.idx.add.f32.msk $0xffff, v16;
	v16 =	vmul.f32 v31, v25  }
.Ltmp3:
0x175: {  	[tilespmem:v18+s20+$0x0] =	vst.idx.add.f32.msk $0xffff, v15;
	(pc) =	sbr.rel @p2 .LBB2_9-.Ltmp3, $4  }
0x176: {  	v18 =	vmul.f32 v37, v23;
	v15 =	vmul.f32 v33, v21;
	[tilespmem:v22+s20+$0x0] =	vst.idx.add.f32.msk $0xffff, v16  }
0x177: {  	v16 =	vmul.f32 v38, v19;
	[tilespmem:v35+s20+$0x0] =	vst.idx.add.f32.msk $0xffff, v17  }
0x178: {  	[tilespmem:v24+s20+$0x0] =	vst.idx.add.f32.msk $0xffff, v18  }
0x179: {  	[tilespmem:v20+s20+$0x0] =	vst.idx.add.f32.msk $0xffff, v29  }
0x17a: {  	_ =	sdelay $0x3  }
0x17b: {  	[tilespmem:v6+s20+$0x0] =	vst.idx.add.f32.msk $0xffff, v16  }
0x17c: {  	[tilespmem:v3+s20+$0x0] =	vst.idx.add.f32.msk $0xffff, v14  }
0x17d: {  	[tilespmem:v4+s20+$0x0] =	vst.idx.add.f32.msk $0xffff, v13  }
0x17e: {  	[tilespmem:v2+s20+$0x0] =	vst.idx.add.f32.msk $0xffff, v10  }
0x17f: {  	s6 =	sadd.s32 @!p1 s6, s15;
	[tilespmem:v7+s20+$0x0] =	vst.idx.add.f32.msk $0xffff, v12  }
0x180: {  	s6 =	sshll.u32 @!p1 s6, $0x9;
	[tilespmem:v5+s20+$0x0] =	vst.idx.add.f32.msk $0xffff, v15  }
0x181: {  	s6 =	sand.u32 @!p1 $0x1FFFFC00, s6;
	[tilespmem:v8+s20+$0x0] =	vst.idx.add.f32.msk $0xffff, v11  }
0x182: {  	s8 =	simm.s32 @!p1 $0x0;
	s9 =	simm.s32 @!p1 $0x12000;
	s7 =	sadd.s32 @!p1 s4, s6;
	[tilespmem:v1+s20+$0x0] =	vst.idx.add.f32.msk $0xffff, v9  }
0x183: {  	[tilespmem:s9], [sflag:$0x3] =	stream.linear.gather @!p1 [hbm4b:s7+s8], $0x1000, $0x38;
	[tilespmem:$0x18000] =	vst v63  }
0x184: {  	s6 =	sadd.s32 @!p1 s5, s6;
	s7 =	simm.s32 @!p1 $0x16000  }
0x185: {  	[tilespmem:s7], [sflag:$0x3] =	stream.linear.gather @!p1 [hbm4b:s6+s8], $0x1000, $0x38;
	[tilespmem:$0x18000] =	vst v63  }
0x186: {  	_ =	swait.ge [sflag:s23], $0x1000  }
0x187: {  	[sflag:s23] =	ssyncset.done $0x0  }
0x188: {  	[sflag:s23] =	ssyncadd.s32 $0xFFFFF000  }
0x189: {  	_ =	swait.ge [sflag:s23], $0x1000  }
0x18a: {  	[sflag:s23] =	ssyncset.done $0x0  }
0x18b: {  	s10 =	simm.s32 $0x0;
	[sflag:s23] =	ssyncadd.s32 $0xFFFFF000  }
0x18c: {  	v14 =	vld [tilespmem:s10+$0x17010]  }
0x18d: {  	v13 =	vld [tilespmem:s10+$0x17070]  }
0x18e: {  	v9 =	vld [tilespmem:s10+$0x17030]  }
0x18f: {  	v15 =	vld [tilespmem:s10+$0x17020]  }
0x190: {  	v7 =	vld [tilespmem:s10+$0x13040]  }
0x191: {  	v2 =	vld [tilespmem:s10+$0x13030]  }
0x192: {  	v8 =	vld [tilespmem:s10+$0x13060]  }
0x193: {  	v1 =	vld [tilespmem:s10+$0x13070]  }
0x194: {  	v10 =	vld [tilespmem:s10+$0x13050]  }
0x195: {  	v4 =	vld [tilespmem:s10+$0x13020]  }
0x196: {  	v6 =	vld [tilespmem:s10+$0x13010]  }
0x197: {  	v11 =	vld [tilespmem:s10+$0x13000];
	v12 =	vand.u32 $0x3FFF, v2  }
0x198: {  	v16 =	vld [tilespmem:s10+$0x17000];
	v17 =	vand.u32 $0x3FFF, v1  }
0x199: {  	v18 =	vld [tilespmem:s10+$0x17050];
	v19 =	vand.u32 $0x3FFF, v7  }
0x19a: {  	v20 =	vld [tilespmem:s10+$0x17060];
	v21 =	vand.u32 $0x3FFF, v8  }
0x19b: {  	v22 =	vld [tilespmem:s10+$0x17040];
	v1 =	vshrl.u32 v1, $0xE  }
0x19c: {  	v2 =	vshrl.u32 v2, $0xE;
	v23 =	vld.idx.msk [tilespmem:v12+s29+$0x0], $0xffff  }
0x19d: {  	v3 =	vshrl.u32 v6, $0xE;
	v24 =	vld.idx.msk [tilespmem:v17+s29+$0x0], $0xffff  }
0x19e: {  	v25 =	vand.u32 $0x3FFF, v4;
	v26 =	vld.idx.msk [tilespmem:v19+s29+$0x0], $0xffff  }
0x19f: {  	v5 =	vshrl.u32 v11, $0xE;
	v27 =	vld.idx.msk [tilespmem:v21+s29+$0x0], $0xffff  }
0x1a0: {  	v29 =	vand.u32 $0x3FFF, v6;
	v28 =	vld.idx.msk [tilespmem:v1+s29+$0x0], $0xffff  }
0x1a1: {  	v4 =	vshrl.u32 v4, $0xE;
	v30 =	vld.idx.msk [tilespmem:v2+s29+$0x0], $0xffff  }
0x1a2: {  	v6 =	vshrl.u32 v10, $0xE;
	v31 =	vld.idx.msk [tilespmem:v3+s29+$0x0], $0xffff  }
0x1a3: {  	v7 =	vshrl.u32 v7, $0xE;
	v32 =	vld.idx.msk [tilespmem:v25+s29+$0x0], $0xffff  }
0x1a4: {  	v8 =	vshrl.u32 v8, $0xE;
	v33 =	vld.idx.msk [tilespmem:v5+s29+$0x0], $0xffff  }
0x1a5: {  	v35 =	vand.u32 $0x3FFF, v10;
	v34 =	vld.idx.msk [tilespmem:v29+s29+$0x0], $0xffff  }
0x1a6: {  	v11 =	vand.u32 $0x3FFF, v11;
	v10 =	vld.idx.msk [tilespmem:v4+s29+$0x0], $0xffff  }
0x1a7: {  	v36 =	vld.idx.msk [tilespmem:v6+s29+$0x0], $0xffff  }
0x1a8: {  	v37 =	vld.idx.msk [tilespmem:v7+s29+$0x0], $0xffff  }
0x1a9: {  	v38 =	vld.idx.msk [tilespmem:v8+s29+$0x0], $0xffff  }
0x1aa: {  	v39 =	vld.idx.msk [tilespmem:v35+s29+$0x0], $0xffff;
	v33 =	vmul.f32 v33, v16  }
0x1ab: {  	v40 =	vld.idx.msk [tilespmem:v11+s29+$0x0], $0xffff;
	v31 =	vmul.f32 v31, v14  }
0x1ac: {  	[tilespmem:v11+s20+$0x0] =	vst.idx.add.f32.msk $0xffff, v33;
	v11 =	vmul.f32 v10, v15  }
0x1ad: {  	v30 =	vmul.f32 v30, v9;
	[tilespmem:v29+s20+$0x0] =	vst.idx.add.f32.msk $0xffff, v31  }
0x1ae: {  	v61 =	vmul.f32 v37, v22;
	v62 =	vmul.f32 v36, v18;
	[tilespmem:v25+s20+$0x0] =	vst.idx.add.f32.msk $0xffff, v11  }
0x1af: {  	v63 =	vmul.f32 v28, v13;
	v14 =	vmul.f32 v34, v14;
	[tilespmem:v12+s20+$0x0] =	vst.idx.add.f32.msk $0xffff, v30  }
0x1b0: {  	v16 =	vmul.f32 v40, v16;
	[tilespmem:v19+s20+$0x0] =	vst.idx.add.f32.msk $0xffff, v61;
	v19 =	vmul.f32 v38, v20  }
0x1b1: {  	v10 =	vmul.f32 v23, v9;
	v9 =	vmul.f32 v24, v13;
	[tilespmem:v35+s20+$0x0] =	vst.idx.add.f32.msk $0xffff, v62  }
0x1b2: {  	v13 =	vmul.f32 v32, v15;
	v15 =	vmul.f32 v39, v18;
	[tilespmem:v21+s20+$0x0] =	vst.idx.add.f32.msk $0xffff, v19  }
0x1b3: {  	s6 =	simm.s32 $0x200;
	v11 =	vmul.f32 v26, v22;
	v12 =	vmul.f32 v27, v20;
	[tilespmem:v17+s20+$0x0] =	vst.idx.add.f32.msk $0xffff, v63  }
.LBB2_11:
0x1b4: {  	s7 =	sshra.s32 s6, $0x2;
	p1 =	sne.s32 s6, $0x3E00;
	s6 =	sadd.s32 $0x200, s6;
	[tilespmem:v5+s20+$0x0] =	vst.idx.add.f32.msk $0xffff, v16  }
0x1b5: {  	[tilespmem:v3+s20+$0x0] =	vst.idx.add.f32.msk $0xffff, v14  }
0x1b6: {  	[tilespmem:v4+s20+$0x0] =	vst.idx.add.f32.msk $0xffff, v13  }
0x1b7: {  	[tilespmem:v2+s20+$0x0] =	vst.idx.add.f32.msk $0xffff, v10  }
0x1b8: {  	[tilespmem:v7+s20+$0x0] =	vst.idx.add.f32.msk $0xffff, v11  }
0x1b9: {  	[tilespmem:v6+s20+$0x0] =	vst.idx.add.f32.msk $0xffff, v15  }
0x1ba: {  	[tilespmem:v8+s20+$0x0] =	vst.idx.add.f32.msk $0xffff, v12  }
0x1bb: {  	[tilespmem:v1+s20+$0x0] =	vst.idx.add.f32.msk $0xffff, v9  }
0x1bc: {  	v14 =	vld [tilespmem:s7+$0x17010]  }
0x1bd: {  	v13 =	vld [tilespmem:s7+$0x17070]  }
0x1be: {  	v15 =	vld [tilespmem:s7+$0x17030]  }
0x1bf: {  	v16 =	vld [tilespmem:s7+$0x17020]  }
0x1c0: {  	v6 =	vld [tilespmem:s7+$0x13040]  }
0x1c1: {  	v2 =	vld [tilespmem:s7+$0x13030]  }
0x1c2: {  	v8 =	vld [tilespmem:s7+$0x13060]  }
0x1c3: {  	v1 =	vld [tilespmem:s7+$0x13070]  }
0x1c4: {  	v12 =	vld [tilespmem:s7+$0x13050]  }
0x1c5: {  	v5 =	vld [tilespmem:s7+$0x13020]  }
0x1c6: {  	v7 =	vld [tilespmem:s7+$0x13010]  }
0x1c7: {  	v18 =	vand.u32 $0x3FFF, v2;
	v17 =	vld [tilespmem:s7+$0x13000]  }
0x1c8: {  	v19 =	vld [tilespmem:s7+$0x17000];
	v20 =	vand.u32 $0x3FFF, v1  }
0x1c9: {  	v22 =	vand.u32 $0x3FFF, v6;
	v21 =	vld [tilespmem:s7+$0x17050]  }
0x1ca: {  	v24 =	vand.u32 $0x3FFF, v8;
	v23 =	vld [tilespmem:s7+$0x17060]  }
0x1cb: {  	v1 =	vshrl.u32 v1, $0xE;
	v25 =	vld [tilespmem:s7+$0x17040]  }
0x1cc: {  	v2 =	vshrl.u32 v2, $0xE;
	v9 =	vld.idx.msk [tilespmem:v18+s29+$0x0], $0xffff  }
0x1cd: {  	v4 =	vshrl.u32 v5, $0xE;
	v3 =	vshrl.u32 v7, $0xE;
	v11 =	vld.idx.msk [tilespmem:v20+s29+$0x0], $0xffff  }
0x1ce: {  	v26 =	vand.u32 $0x3FFF, v5;
	v27 =	vld.idx.msk [tilespmem:v22+s29+$0x0], $0xffff  }
0x1cf: {  	v5 =	vshrl.u32 v17, $0xE;
	v28 =	vld.idx.msk [tilespmem:v24+s29+$0x0], $0xffff  }
0x1d0: {  	v30 =	vand.u32 $0x3FFF, v7;
	v29 =	vld.idx.msk [tilespmem:v1+s29+$0x0], $0xffff  }
0x1d1: {  	v7 =	vshrl.u32 v6, $0xE;
	v31 =	vld.idx.msk [tilespmem:v2+s29+$0x0], $0xffff  }
0x1d2: {  	v6 =	vshrl.u32 v12, $0xE;
	v10 =	vmul.f32 v9, v15;
	v32 =	vld.idx.msk [tilespmem:v3+s29+$0x0], $0xffff  }
0x1d3: {  	v9 =	vmul.f32 v11, v13;
	v33 =	vld.idx.msk [tilespmem:v26+s29+$0x0], $0xffff  }
0x1d4: {  	v8 =	vshrl.u32 v8, $0xE;
	v11 =	vmul.f32 v27, v25;
	v34 =	vld.idx.msk [tilespmem:v5+s29+$0x0], $0xffff  }
0x1d5: {  	v35 =	vand.u32 $0x3FFF, v12;
	v12 =	vmul.f32 v28, v23;
	v27 =	vld.idx.msk [tilespmem:v30+s29+$0x0], $0xffff  }
0x1d6: {  	v17 =	vand.u32 $0x3FFF, v17;
	v29 =	vmul.f32 v29, v13;
	v28 =	vld.idx.msk [tilespmem:v4+s29+$0x0], $0xffff  }
0x1d7: {  	v15 =	vmul.f32 v31, v15;
	v36 =	vld.idx.msk [tilespmem:v6+s29+$0x0], $0xffff  }
0x1d8: {  	v32 =	vmul.f32 v32, v14;
	v31 =	vld.idx.msk [tilespmem:v7+s29+$0x0], $0xffff  }
0x1d9: {  	v13 =	vmul.f32 v33, v16;
	v37 =	vld.idx.msk [tilespmem:v8+s29+$0x0], $0xffff  }
0x1da: {  	v34 =	vmul.f32 v34, v19;
	v33 =	vld.idx.msk [tilespmem:v35+s29+$0x0], $0xffff  }
0x1db: {  	v14 =	vmul.f32 v27, v14;
	v38 =	vld.idx.msk [tilespmem:v17+s29+$0x0], $0xffff  }
0x1dc: {  	v16 =	vmul.f32 v28, v16;
	[tilespmem:v17+s20+$0x0] =	vst.idx.add.f32.msk $0xffff, v34  }
0x1dd: {  	v17 =	vmul.f32 v36, v21;
	[tilespmem:v30+s20+$0x0] =	vst.idx.add.f32.msk $0xffff, v32  }
0x1de: {  	[tilespmem:v26+s20+$0x0] =	vst.idx.add.f32.msk $0xffff, v16;
	v16 =	vmul.f32 v31, v25  }
.Ltmp4:
0x1df: {  	[tilespmem:v18+s20+$0x0] =	vst.idx.add.f32.msk $0xffff, v15;
	(pc) =	sbr.rel @p1 .LBB2_11-.Ltmp4, $4  }
0x1e0: {  	v18 =	vmul.f32 v37, v23;
	v15 =	vmul.f32 v33, v21;
	[tilespmem:v22+s20+$0x0] =	vst.idx.add.f32.msk $0xffff, v16  }
0x1e1: {  	v16 =	vmul.f32 v38, v19;
	[tilespmem:v35+s20+$0x0] =	vst.idx.add.f32.msk $0xffff, v17  }
0x1e2: {  	[tilespmem:v24+s20+$0x0] =	vst.idx.add.f32.msk $0xffff, v18  }
0x1e3: {  	[tilespmem:v20+s20+$0x0] =	vst.idx.add.f32.msk $0xffff, v29  }
0x1e4: {  	_ =	sdelay $0x3  }
0x1e5: {  	[tilespmem:v5+s20+$0x0] =	vst.idx.add.f32.msk $0xffff, v16  }
0x1e6: {  	s2 =	sadd.s32 $0x1, s2;
	[tilespmem:v3+s20+$0x0] =	vst.idx.add.f32.msk $0xffff, v14  }
0x1e7: {  	p1 =	sne.s32 s2, $0x5;
	[tilespmem:v4+s20+$0x0] =	vst.idx.add.f32.msk $0xffff, v13  }
.Ltmp5:
0x1e8: {  	[tilespmem:v2+s20+$0x0] =	vst.idx.add.f32.msk $0xffff, v10;
	(pc) =	sbr.rel @p1 .LBB2_4-.Ltmp5, $4  }
0x1e9: {  	[tilespmem:v7+s20+$0x0] =	vst.idx.add.f32.msk $0xffff, v11  }
0x1ea: {  	[tilespmem:v6+s20+$0x0] =	vst.idx.add.f32.msk $0xffff, v15  }
0x1eb: {  	[tilespmem:v8+s20+$0x0] =	vst.idx.add.f32.msk $0xffff, v12  }
0x1ec: {  	[tilespmem:v1+s20+$0x0] =	vst.idx.add.f32.msk $0xffff, v9  }
0x1ed: {  	s2 =	simm.s32 $0xC000  }
0x1ee: {  	[spmem:s16] =	stream.strided.scatter [tilespmem:s2], [sflag:$0x5], $0x4000, s28, s26, $0x38;
	[tilespmem:$0x18000] =	vst v63  }
0x1ef: {  	_ =	swait.ge [sflag:s30], $0x4000  }
0x1f0: {  	[sflag:s30] =	ssyncset.done $0x0  }
0x1f1: {  	s6 =	simm.s32 $0x2000;
	[sflag:s30] =	ssyncadd.s32 $0xFFFFC000  }
0x1f2: {  	s7 =	simm.s32 $0x20000;
	s8 =	simm.s32 $0x4000;
	[bflag:$0x0] =	sbarrier.arrive $0xFFFF  }
0x1f3: {  	[tilespmem:s8], [sflag:$0x5] =	stream.strided.gather [spmem:s17], $0x4000, s7, s6, $0x38;
	[tilespmem:$0x18000] =	vst v63  }
0x1f4: {  	s8 =	simm.s32 $0x0;
	_ =	swait.ge [sflag:s30], $0x4000  }
0x1f5: {  	s9 =	sand.u32 $0x70, s8;
	s6 =	sand.u32 $0x1C00, s8;
	[sflag:s30] =	ssyncset.done $0x0  }
0x1f6: {  	s6 =	sor.u32 s9, s6;
	[sflag:s30] =	ssyncadd.s32 $0xFFFFC000  }
0x1f7: {  	v1 =	vld [tilespmem:s6+$0x4080]  }
0x1f8: {  	v2 =	vld [tilespmem:s6+$0x4000];
	_ =	sdelay $0x1  }
0x1f9: {  	v3 =	vld [tilespmem:s6+$0x4100];
	_ =	sdelay $0x1  }
0x1fa: {  	v4 =	vld [tilespmem:s6+$0x4180]  }
0x1fb: {  	v1 =	vadd.f32 v1, v2  }
0x1fc: {  	v2 =	vld [tilespmem:s6+$0x4200]  }
0x1fd: {  	v1 =	vadd.f32 v3, v1  }
0x1fe: {  	v3 =	vld [tilespmem:s6+$0x4280]  }
0x1ff: {  	v1 =	vadd.f32 v4, v1  }
0x200: {  	v60 =	vld [tilespmem:s6+$0x4300]  }
0x201: {  	v1 =	vadd.f32 v2, v1  }
0x202: {  	v2 =	vld [tilespmem:s6+$0x4380]  }
0x203: {  	v1 =	vadd.f32 v3, v1  }
0x204: {  	v3 =	vld [tilespmem:s6+$0x6000]  }
0x205: {  	v1 =	vadd.f32 v60, v1  }
0x206: {  	v61 =	vld [tilespmem:s6+$0x6080]  }
0x207: {  	v1 =	vadd.f32 v2, v1  }
0x208: {  	v2 =	vld [tilespmem:s6+$0x6100]  }
0x209: {  	v1 =	vadd.f32 v3, v1  }
0x20a: {  	v3 =	vld [tilespmem:s6+$0x6180]  }
0x20b: {  	v1 =	vadd.f32 v61, v1  }
0x20c: {  	v62 =	vld [tilespmem:s6+$0x6200]  }
0x20d: {  	v1 =	vadd.f32 v2, v1  }
0x20e: {  	v2 =	vld [tilespmem:s6+$0x6280]  }
0x20f: {  	v1 =	vadd.f32 v3, v1  }
0x210: {  	v3 =	vld [tilespmem:s6+$0x6300]  }
0x211: {  	v1 =	vadd.f32 v62, v1  }
0x212: {  	v63 =	vld [tilespmem:s6+$0x6380]  }
0x213: {  	v1 =	vadd.f32 v2, v1;
	_ =	sdelay $0x1  }
0x214: {  	v1 =	vadd.f32 v3, v1;
	_ =	sdelay $0x1  }
0x215: {  	s10 =	simm.s32 $0x10;
	s7 =	simm.s32 $0x80;
	v1 =	vadd.f32 v63, v1  }
0x216: {  	s25 =	sand.u32 $0x1C00, s7;
	s6 =	sand.u32 $0x70, s10  }
0x217: {  	s6 =	sor.u32 s6, s25;
	s25 =	simm.s32 $0x20;
	[tilespmem:s2+$0x0] =	vst v1  }
.LBB2_14:
0x218: {  	p1 =	sne.s32 s25, $0x3F0;
	v1 =	vld [tilespmem:s6+$0x4080]  }
0x219: {  	v2 =	vld [tilespmem:s6+$0x4000];
	_ =	sdelay $0x1  }
0x21a: {  	v3 =	vld [tilespmem:s6+$0x4100];
	_ =	sdelay $0x1  }
0x21b: {  	v4 =	vld [tilespmem:s6+$0x4180]  }
0x21c: {  	v1 =	vadd.f32 v1, v2  }
0x21d: {  	v2 =	vld [tilespmem:s6+$0x4200]  }
0x21e: {  	v1 =	vadd.f32 v3, v1  }
0x21f: {  	v3 =	vld [tilespmem:s6+$0x4280]  }
0x220: {  	v1 =	vadd.f32 v4, v1  }
0x221: {  	v4 =	vld [tilespmem:s6+$0x4300]  }
0x222: {  	v1 =	vadd.f32 v2, v1  }
0x223: {  	v2 =	vld [tilespmem:s6+$0x4380]  }
0x224: {  	v1 =	vadd.f32 v3, v1  }
0x225: {  	v3 =	vld [tilespmem:s6+$0x6000]  }
0x226: {  	v1 =	vadd.f32 v4, v1  }
0x227: {  	v4 =	vld [tilespmem:s6+$0x6080]  }
0x228: {  	v1 =	vadd.f32 v2, v1  }
0x229: {  	v2 =	vld [tilespmem:s6+$0x6100]  }
0x22a: {  	v1 =	vadd.f32 v3, v1  }
0x22b: {  	v3 =	vld [tilespmem:s6+$0x6180]  }
0x22c: {  	v1 =	vadd.f32 v4, v1  }
0x22d: {  	v4 =	vld [tilespmem:s6+$0x6200]  }
0x22e: {  	v1 =	vadd.f32 v2, v1  }
0x22f: {  	v2 =	vld [tilespmem:s6+$0x6280]  }
0x230: {  	v1 =	vadd.f32 v3, v1  }
0x231: {  	v3 =	vld [tilespmem:s6+$0x6300]  }
0x232: {  	v1 =	vadd.f32 v4, v1  }
0x233: {  	v4 =	vld [tilespmem:s6+$0x6380]  }
0x234: {  	v1 =	vadd.f32 v2, v1;
	_ =	sdelay $0x1  }
.Ltmp6:
0x235: {  	v1 =	vadd.f32 v3, v1;
	(pc) =	sbr.rel @p1 .LBB2_14-.Ltmp6, $4  }
0x236: {  	_ = 	snop  }
0x237: {  	s7 =	sadd.s32 $0x80, s7;
	v1 =	vadd.f32 v4, v1  }
0x238: {  	s2 =	sadd.s32 $0x10, s2;
	s8 =	sand.u32 $0x1C00, s7;
	s6 =	sand.u32 $0x70, s25  }
0x239: {  	s25 =	sadd.s32 $0x10, s25;
	s6 =	sor.u32 s6, s8;
	[tilespmem:s2+$0x0] =	vst v1  }
0x23a: {  	v1 =	vld [tilespmem:s6+$0x4080]  }
0x23b: {  	v2 =	vld [tilespmem:s6+$0x4000];
	_ =	sdelay $0x1  }
0x23c: {  	v3 =	vld [tilespmem:s6+$0x4100];
	_ =	sdelay $0x1  }
0x23d: {  	v4 =	vld [tilespmem:s6+$0x4180]  }
0x23e: {  	v1 =	vadd.f32 v1, v2  }
0x23f: {  	v2 =	vld [tilespmem:s6+$0x4200]  }
0x240: {  	v1 =	vadd.f32 v3, v1  }
0x241: {  	v3 =	vld [tilespmem:s6+$0x4280]  }
0x242: {  	v1 =	vadd.f32 v4, v1  }
0x243: {  	v60 =	vld [tilespmem:s6+$0x4300]  }
0x244: {  	v1 =	vadd.f32 v2, v1  }
0x245: {  	v2 =	vld [tilespmem:s6+$0x4380]  }
0x246: {  	v1 =	vadd.f32 v3, v1  }
0x247: {  	v3 =	vld [tilespmem:s6+$0x6000]  }
0x248: {  	v1 =	vadd.f32 v60, v1  }
0x249: {  	v61 =	vld [tilespmem:s6+$0x6080]  }
0x24a: {  	v1 =	vadd.f32 v2, v1  }
0x24b: {  	v2 =	vld [tilespmem:s6+$0x6100]  }
0x24c: {  	v1 =	vadd.f32 v3, v1  }
0x24d: {  	v3 =	vld [tilespmem:s6+$0x6180]  }
0x24e: {  	v1 =	vadd.f32 v61, v1  }
0x24f: {  	v62 =	vld [tilespmem:s6+$0x6200]  }
0x250: {  	v1 =	vadd.f32 v2, v1  }
0x251: {  	v2 =	vld [tilespmem:s6+$0x6280]  }
0x252: {  	v1 =	vadd.f32 v3, v1  }
0x253: {  	v3 =	vld [tilespmem:s6+$0x6300]  }
0x254: {  	v1 =	vadd.f32 v62, v1  }
0x255: {  	v63 =	vld [tilespmem:s6+$0x6380]  }
0x256: {  	v1 =	vadd.f32 v2, v1;
	_ =	sdelay $0x1  }
0x257: {  	v1 =	vadd.f32 v3, v1;
	_ =	sdelay $0x1  }
0x258: {  	s24 =	sadd.s32 $0x1, s24;
	v1 =	vadd.f32 v63, v1  }
0x259: {  	s2 =	sadd.s32 $0x10, s2;
	p1 =	sne.s32 s24, s19  }
.Ltmp7:
0x25a: {  	s25 =	simm.s32 $0x100;
	[tilespmem:s2+$0x0] =	vst v1;
	(pc) =	sbr.rel @p1 .LBB2_1-.Ltmp7, $4  }
0x25b: {  	[hbm4b:s18+s26] =	stream.strided.scatter [tilespmem:s20], [sflag:$0x5], $0x400, s25, s26, $0x38;
	[tilespmem:$0x18000] =	vst v63  }
0x25c: {  	_ =	swait.ge [sflag:s30], $0x400  }
0x25d: {  	[sflag:s30] =	ssyncset.done $0x0  }
0x25e: {  	[sflag:s30] =	ssyncadd.s32 $0xFFFFFC00  }
0x25f: {  	_ =	sfence.sel $0x180000  }
0x260: {  	[bflag:$0x0] =	sbarrier.arrive $0xFFFF  }
0x261: {  	_ =	strace $0x90000047  }
0x262: {  	[bflag:$0x2] =	sbarrier.arrive $0xFFFF  }
0x263: {  	s0 =	rddreg [dreg:$0x3]  }
0x264: {  	s0 =	sadd.s32 @!p0 $0x100000, s0  }
0x265: {  	[sflag:s0] =	ssyncadd.tile.s32 @!p0 $0x1;
	_ =	shalt  }
.Lfunc_end2:
_tile_overlayer_lowered:
.L_overlay_start_2:
0x266: {  	(tag) =	ssettag $0x2  }
0x267: {  	s0 =	rddreg [dreg:$0x0];
	s2 =	stileid.u32  }
0x268: {  	s1 =	rddreg [dreg:$0x1];
	p0 =	sne.s32 s2, $0x0  }
0x269: {  	s3 =	rddreg [dreg:$0x2];
	[bflag:$0x3] =	sbarrier.arrive $0xFFFF;
	s2 =	simm.s32 @!p0 $0x1C05  }
0x26a: {  	[timem:s3], [sflag:s2] =	dma.local @!p0 [hbm:s0], s1  }
0x26b: {  	s0 =	simm.s32 @!p0 $0x5  }
0x26c: {  	_ =	swait.ge @!p0 [sflag:s0], s1  }
0x26d: {  	s1 =	ssub.s32 @!p0 $0x0, s1;
	[sflag:s0] =	ssyncset.done @!p0 $0x0  }
0x26e: {  	[sflag:s0] =	ssyncadd.s32 @!p0 s1  }
0x26f: {  	[bflag:$0x3] =	sbarrier.arrive $0xFFFF  }
0x270: {  	_ =	shalt  }

</sc_bundles>
